<compile_context>
chip_gen: v7x
topology: tpu7x:2x2x1
jax: 0.10.2.dev20260603
libtpu: 0.0.44.dev20260713+nightly
codegen_flags: <defaults>
</compile_context>

<pallas_src>
import functools

import jax
import jax.numpy as jnp
from jax import lax
from jax.experimental import pallas as pl
from jax.experimental.pallas import tpu as pltpu
from jax.experimental.pallas import tpu_sc as plsc

N, C = 1024, 50
D_MODEL = 128
B_TOTAL = N * C

K_CHUNKS = 4
B_CHUNK = B_TOTAL // K_CHUNKS

SC_CORES = 2
SC_SUBCORES = 16
NW = SC_CORES * SC_SUBCORES
B_PER_W = B_CHUNK // NW
GATHER_CHUNK = 80
N_CHUNKS = B_PER_W // GATHER_CHUNK

BM = 1600
SUB = 4
BSUB = BM // SUB
STEPS_PER_CHUNK = B_CHUNK // BM


def _sc_gather(table, idx_chunk):
    mesh = plsc.VectorSubcoreMesh(core_axis_name="c", subcore_axis_name="s")

    @functools.partial(
        pl.kernel,
        mesh=mesh,
        out_type=jax.ShapeDtypeStruct((B_CHUNK, D_MODEL), jnp.float32),
        scratch_types=[
            pltpu.VMEM((B_PER_W,), jnp.int32),
            pltpu.VMEM((GATHER_CHUNK, D_MODEL), jnp.float32),
            pltpu.SemaphoreType.DMA,
        ],
    )
    def k(table_hbm, idx_hbm, out_hbm, idx_v, rows_v, sem):
        wid = lax.axis_index("s") * SC_CORES + lax.axis_index("c")
        base = wid * B_PER_W
        pltpu.sync_copy(idx_hbm.at[pl.ds(base, B_PER_W)], idx_v)

        @pl.loop(0, N_CHUNKS)
        def _(c):
            off = c * GATHER_CHUNK
            pltpu.async_copy(
                table_hbm.at[idx_v.at[pl.ds(off, GATHER_CHUNK)]], rows_v, sem
            ).wait()
            pltpu.sync_copy(rows_v, out_hbm.at[pl.ds(base + off, GATHER_CHUNK)])

    return k(table, idx_chunk)


def _mm_body_first(*refs):
    x_refs = refs[:SUB]
    wt_ref, cat_ref, out_ref = refs[SUB], refs[SUB + 1], refs[SUB + 2]
    _mm_compute(x_refs, wt_ref, cat_ref, out_ref)


def _mm_body_rest(*refs):
    x_refs = refs[:SUB]
    wt_ref, cat_ref, out_ref = refs[SUB], refs[SUB + 1], refs[SUB + 3]
    _mm_compute(x_refs, wt_ref, cat_ref, out_ref)


def _mm_compute(x_refs, wt_ref, cat_ref, out_ref):
    wt = wt_ref[...].astype(jnp.bfloat16)
    for j in range(SUB):
        x = x_refs[j][...].astype(jnp.bfloat16)
        acc = jnp.dot(x, wt, preferred_element_type=jnp.float32)
        out_ref[pl.ds(j * BSUB, BSUB), :] = (
            acc + cat_ref[pl.ds(j * BSUB, BSUB), :]
        )


def _tc_matmul_add_chunk(chunk, x, wt, cat, prev):
    base = chunk * STEPS_PER_CHUNK
    x_specs = [
        pl.BlockSpec(
            (BSUB, x.shape[1]),
            lambda i, j=j: ((base + i) * SUB + j, 0),
        )
        for j in range(SUB)
    ]
    in_specs = x_specs + [
        pl.BlockSpec((wt.shape[0], wt.shape[1]), lambda i: (0, 0)),
        pl.BlockSpec((BM, D_MODEL), lambda i: (i, 0)),
    ]
    operands = [x] * SUB + [wt, cat]
    kwargs = {}
    if prev is None:
        body = _mm_body_first
    else:
        body = _mm_body_rest
        in_specs = in_specs + [pl.BlockSpec(memory_space=pl.ANY)]
        operands = operands + [prev]
        kwargs["input_output_aliases"] = {SUB + 2: 0}
    return pl.pallas_call(
        body,
        grid=(STEPS_PER_CHUNK,),
        in_specs=in_specs,
        out_specs=pl.BlockSpec((BM, D_MODEL), lambda i: (base + i, 0)),
        out_shape=jax.ShapeDtypeStruct((B_TOTAL, D_MODEL), jnp.float32),
        compiler_params=pltpu.CompilerParams(
            dimension_semantics=("arbitrary",),
        ),
        **kwargs,
    )(*operands)


def kernel(gene_id, gene_value, E_gene_id, W_gene_value):
    idx_flat = gene_id.T.reshape(-1)
    x = gene_value.transpose(1, 0, 2).reshape(B_TOTAL, -1)
    wt = W_gene_value.T
    cats = [
        _sc_gather(E_gene_id, idx_flat[i * B_CHUNK:(i + 1) * B_CHUNK])
        for i in range(K_CHUNKS)
    ]
    out = None
    for i in range(K_CHUNKS):
        out = _tc_matmul_add_chunk(i, x, wt, cats[i], out)
    return out.reshape(C, N, D_MODEL).transpose(1, 0, 2)

# --- scband reference (transcript-rebuilt; emitter-appended) ---
"""Pipeline reference for scband-gene-embedding-61993557950566 (READ-ONLY COPY).

The authoritative reference and input builder live on the scoring server;
editing this copy changes nothing except your own understanding.
"""

import jax, jax.numpy as jnp
import numpy as np

N, C = 1024, 50
VOCAB_CAT = 100000
VOCAB_CONT = 1024
D_MODEL = 128


def setup_inputs(seed: int = 0) -> dict:
    key = jax.random.key(seed)
    k1, k2, k3, k4 = jax.random.split(key, 4)
    gene_id = jax.random.randint(k1, (N, C), 0, VOCAB_CAT, dtype=jnp.int64 if jax.config.jax_enable_x64 else jnp.int32).astype(jnp.int32)
    gene_value = jax.random.normal(k2, (N, C, VOCAB_CONT), dtype=jnp.float32)
    # learned params
    E_gene_id = jax.random.normal(k3, (VOCAB_CAT, D_MODEL), dtype=jnp.float32) * 0.02
    # torch nn.Linear(vocab_size, d_model, bias=False): weight shape (d_model, vocab_size)
    W_gene_value = jax.random.normal(k4, (D_MODEL, VOCAB_CONT), dtype=jnp.float32) * 0.02
    return {"gene_id": gene_id, "gene_value": gene_value, "E_gene_id": E_gene_id, "W_gene_value": W_gene_value}


def reference(gene_id, gene_value, E_gene_id, W_gene_value):
    # categorical: embedding lookup -> (n, c, d)
    emb_cat = jnp.take(E_gene_id, gene_id, axis=0)
    # continuous: Linear without bias on last dim -> (n, c, d)
    emb_cont = jnp.einsum('ncv,dv->ncd', gene_value, W_gene_value)
    # reduce(operator.add, [...]) over the dict entries
    return emb_cat + emb_cont

if __name__ == "__main__":
    import jax
    _d = setup_inputs()
    print(jax.jit(kernel)(*tuple(_d.values())))

</pallas_src>

<mosaic_0001>
#map = affine_map<(d0, d1) -> (0, 0)>
#map1 = affine_map<(d0, d1) -> (0)>
module attributes {stable_mosaic.version = 14 : i64} {
  func.func @k(%arg0: i32, %arg1: i32, %arg2: memref<100000x128xf32, #tpu.memory_space<hbm>>, %arg3: memref<12800xi32, #tpu.memory_space<hbm>>, %arg4: memref<12800x128xf32, #tpu.memory_space<hbm>>, %arg5: memref<400xi32, #tpu.memory_space<vmem>>, %arg6: memref<80x128xf32, #tpu.memory_space<vmem>>, %arg7: memref<!tpu.dma_semaphore, #tpu.memory_space<semaphore_mem>>) attributes {dimension_semantics = [#tpu.dimension_semantics<core_parallel>, #tpu.dimension_semantics<subcore_parallel>], iteration_bounds = array<i64: 2, 16>, scalar_prefetch = 0 : i64, scratch_operands = 3 : i64, tpu.core_type = #tpu.core_type<sc_vector_subcore>, window_params = [{transform_indices = #map}, {transform_indices = #map1}, {transform_indices = #map}]} {
    %mul3A = arith.constant 2 : i32
    %mul3A_0 = arith.muli %arg1, %mul3A : i32
    %add3A = arith.addi %mul3A_0, %arg0 : i32
    %mul3A_1 = arith.constant 400 : i32
    %mul3A_2 = arith.muli %add3A, %mul3A_1 : i32
    "tpu.region"() ({
      %run_scoped3A = tpu.sem_alloc : memref<!tpu.dma_semaphore, #tpu.memory_space<semaphore_mem>>
      %dma_start3A = tpu.memref_slice %arg3[%mul3A_2] : memref<12800xi32, #tpu.memory_space<hbm>> -> memref<400xi32, #tpu.memory_space<hbm>>
      %dma_start3A_7 = tpu.memref_slice %arg3[%mul3A_2] : memref<12800xi32, #tpu.memory_space<hbm>> -> memref<400xi32, #tpu.memory_space<hbm>>
      tpu.enqueue_dma source(%dma_start3A_7 : memref<400xi32, #tpu.memory_space<hbm>>) target(%arg5 : memref<400xi32, #tpu.memory_space<vmem>>) target_semaphore(%run_scoped3A : memref<!tpu.dma_semaphore, #tpu.memory_space<semaphore_mem>>)
      %dma_wait3A = tpu.memref_slice %arg3[%mul3A_2] : memref<12800xi32, #tpu.memory_space<hbm>> -> memref<400xi32, #tpu.memory_space<hbm>>
      %dma_wait3A_8 = tpu.memref_slice %arg3[%mul3A_2] : memref<12800xi32, #tpu.memory_space<hbm>> -> memref<400xi32, #tpu.memory_space<hbm>>
      tpu.wait_dma2 semaphore(%run_scoped3A : memref<!tpu.dma_semaphore, #tpu.memory_space<semaphore_mem>>) src(%dma_wait3A_8 : memref<400xi32, #tpu.memory_space<hbm>>) dst(%arg5 : memref<400xi32, #tpu.memory_space<vmem>>)
      tpu.yield
    }) : () -> ()
    %scan3A = arith.constant 0 : i32
    %scan3A_3 = arith.constant 5 : i32
    %scan3A_4 = arith.addi %scan3A, %scan3A_3 : i32
    %scan3A_5 = arith.constant 1 : i32
    scf.for %scan3A_7 = %scan3A to %scan3A_4 step %scan3A_5  : i32 {
      %mul3A_8 = arith.constant 1 : i32
      %mul3A_9 = arith.muli %scan3A_7, %mul3A_8 : i32
      %add3A_10 = arith.constant 0 : i32
      %add3A_11 = arith.addi %add3A_10, %mul3A_9 : i32
      %mul3A_12 = arith.constant 80 : i32
      %mul3A_13 = arith.muli %add3A_11, %mul3A_12 : i32
      %dma_start3A = tpu.memref_slice %arg5[%mul3A_13] : memref<400xi32, #tpu.memory_space<vmem>> -> memref<80xi32, #tpu.memory_space<vmem>>
      %dma_start3A_14 = arith.constant 0 : i32
      %dma_start3A_15 = arith.constant 0 : i32
      %dma_start3A_16 = tpu.memref_slice %arg2[%dma_start3A_14, %dma_start3A_15] : memref<100000x128xf32, #tpu.memory_space<hbm>> -> memref<100000x128xf32, #tpu.memory_space<hbm>>
      tpu.enqueue_indirect_dma source(%dma_start3A_16 : memref<100000x128xf32, #tpu.memory_space<hbm>>) target(%arg6 : memref<80x128xf32, #tpu.memory_space<vmem>>) offsets(%dma_start3A : memref<80xi32, #tpu.memory_space<vmem>>) semaphore(%arg7 : memref<!tpu.dma_semaphore, #tpu.memory_space<semaphore_mem>>)
      %dma_wait3A = tpu.memref_slice %arg5[%mul3A_13] : memref<400xi32, #tpu.memory_space<vmem>> -> memref<80xi32, #tpu.memory_space<vmem>>
      %dma_wait3A_17 = arith.constant 0 : i32
      %dma_wait3A_18 = arith.constant 0 : i32
      %dma_wait3A_19 = tpu.memref_slice %arg2[%dma_wait3A_17, %dma_wait3A_18] : memref<100000x128xf32, #tpu.memory_space<hbm>> -> memref<100000x128xf32, #tpu.memory_space<hbm>>
      tpu.wait_indirect_dma semaphore(%arg7 : memref<!tpu.dma_semaphore, #tpu.memory_space<semaphore_mem>>) src(%dma_wait3A_19 : memref<100000x128xf32, #tpu.memory_space<hbm>>) dst(%arg6 : memref<80x128xf32, #tpu.memory_space<vmem>>)
      %add3A_20 = arith.addi %mul3A_2, %mul3A_13 : i32
      "tpu.region"() ({
        %run_scoped3A = tpu.sem_alloc : memref<!tpu.dma_semaphore, #tpu.memory_space<semaphore_mem>>
        %dma_start3A_21 = arith.constant 0 : i32
        %dma_start3A_22 = tpu.memref_slice %arg4[%add3A_20, %dma_start3A_21] : memref<12800x128xf32, #tpu.memory_space<hbm>> -> memref<80x128xf32, #tpu.memory_space<hbm>>
        %dma_start3A_23 = arith.constant 0 : i32
        %dma_start3A_24 = tpu.memref_slice %arg4[%add3A_20, %dma_start3A_23] : memref<12800x128xf32, #tpu.memory_space<hbm>> -> memref<80x128xf32, #tpu.memory_space<hbm>>
        tpu.enqueue_dma source(%arg6 : memref<80x128xf32, #tpu.memory_space<vmem>>) target(%dma_start3A_24 : memref<80x128xf32, #tpu.memory_space<hbm>>) target_semaphore(%run_scoped3A : memref<!tpu.dma_semaphore, #tpu.memory_space<semaphore_mem>>)
        %dma_wait3A_25 = arith.constant 0 : i32
        %dma_wait3A_26 = tpu.memref_slice %arg4[%add3A_20, %dma_wait3A_25] : memref<12800x128xf32, #tpu.memory_space<hbm>> -> memref<80x128xf32, #tpu.memory_space<hbm>>
        %dma_wait3A_27 = arith.constant 0 : i32
        %dma_wait3A_28 = tpu.memref_slice %arg4[%add3A_20, %dma_wait3A_27] : memref<12800x128xf32, #tpu.memory_space<hbm>> -> memref<80x128xf32, #tpu.memory_space<hbm>>
        tpu.wait_dma2 semaphore(%run_scoped3A : memref<!tpu.dma_semaphore, #tpu.memory_space<semaphore_mem>>) src(%arg6 : memref<80x128xf32, #tpu.memory_space<vmem>>) dst(%dma_wait3A_28 : memref<80x128xf32, #tpu.memory_space<hbm>>)
        tpu.yield
      }) : () -> ()
    }
    %scan3A_6 = arith.constant 5 : i32
    return
  }
}

#map = affine_map<(d0, d1) -> (0, 0)>
#map1 = affine_map<(d0, d1) -> (0)>
module attributes {stable_mosaic.version = 14 : i64} {
  func.func @k(%arg0: i32, %arg1: i32, %arg2: memref<100000x128xf32, #tpu.memory_space<hbm>>, %arg3: memref<12800xi32, #tpu.memory_space<hbm>>, %arg4: memref<12800x128xf32, #tpu.memory_space<hbm>>, %arg5: memref<400xi32, #tpu.memory_space<vmem>>, %arg6: memref<80x128xf32, #tpu.memory_space<vmem>>, %arg7: memref<!tpu.dma_semaphore, #tpu.memory_space<semaphore_mem>>) attributes {dimension_semantics = [#tpu.dimension_semantics<core_parallel>, #tpu.dimension_semantics<subcore_parallel>], iteration_bounds = array<i64: 2, 16>, scalar_prefetch = 0 : i64, scratch_operands = 3 : i64, tpu.core_type = #tpu.core_type<sc_vector_subcore>, window_params = [{transform_indices = #map}, {transform_indices = #map1}, {transform_indices = #map}]} {
    %mul3A = arith.constant 2 : i32
    %mul3A_0 = arith.muli %arg1, %mul3A : i32
    %add3A = arith.addi %mul3A_0, %arg0 : i32
    %mul3A_1 = arith.constant 400 : i32
    %mul3A_2 = arith.muli %add3A, %mul3A_1 : i32
    "tpu.region"() ({
      %run_scoped3A = tpu.sem_alloc : memref<!tpu.dma_semaphore, #tpu.memory_space<semaphore_mem>>
      %dma_start3A = tpu.memref_slice %arg3[%mul3A_2] : memref<12800xi32, #tpu.memory_space<hbm>> -> memref<400xi32, #tpu.memory_space<hbm>>
      %dma_start3A_7 = tpu.memref_slice %arg3[%mul3A_2] : memref<12800xi32, #tpu.memory_space<hbm>> -> memref<400xi32, #tpu.memory_space<hbm>>
      tpu.enqueue_dma source(%dma_start3A_7 : memref<400xi32, #tpu.memory_space<hbm>>) target(%arg5 : memref<400xi32, #tpu.memory_space<vmem>>) target_semaphore(%run_scoped3A : memref<!tpu.dma_semaphore, #tpu.memory_space<semaphore_mem>>)
      %dma_wait3A = tpu.memref_slice %arg3[%mul3A_2] : memref<12800xi32, #tpu.memory_space<hbm>> -> memref<400xi32, #tpu.memory_space<hbm>>
      %dma_wait3A_8 = tpu.memref_slice %arg3[%mul3A_2] : memref<12800xi32, #tpu.memory_space<hbm>> -> memref<400xi32, #tpu.memory_space<hbm>>
      tpu.wait_dma2 semaphore(%run_scoped3A : memref<!tpu.dma_semaphore, #tpu.memory_space<semaphore_mem>>) src(%dma_wait3A_8 : memref<400xi32, #tpu.memory_space<hbm>>) dst(%arg5 : memref<400xi32, #tpu.memory_space<vmem>>)
      tpu.yield
    }) : () -> ()
    %scan3A = arith.constant 0 : i32
    %scan3A_3 = arith.constant 5 : i32
    %scan3A_4 = arith.addi %scan3A, %scan3A_3 : i32
    %scan3A_5 = arith.constant 1 : i32
    scf.for %scan3A_7 = %scan3A to %scan3A_4 step %scan3A_5  : i32 {
      %mul3A_8 = arith.constant 1 : i32
      %mul3A_9 = arith.muli %scan3A_7, %mul3A_8 : i32
      %add3A_10 = arith.constant 0 : i32
      %add3A_11 = arith.addi %add3A_10, %mul3A_9 : i32
      %mul3A_12 = arith.constant 80 : i32
      %mul3A_13 = arith.muli %add3A_11, %mul3A_12 : i32
      %dma_start3A = tpu.memref_slice %arg5[%mul3A_13] : memref<400xi32, #tpu.memory_space<vmem>> -> memref<80xi32, #tpu.memory_space<vmem>>
      %dma_start3A_14 = arith.constant 0 : i32
      %dma_start3A_15 = arith.constant 0 : i32
      %dma_start3A_16 = tpu.memref_slice %arg2[%dma_start3A_14, %dma_start3A_15] : memref<100000x128xf32, #tpu.memory_space<hbm>> -> memref<100000x128xf32, #tpu.memory_space<hbm>>
      tpu.enqueue_indirect_dma source(%dma_start3A_16 : memref<100000x128xf32, #tpu.memory_space<hbm>>) target(%arg6 : memref<80x128xf32, #tpu.memory_space<vmem>>) offsets(%dma_start3A : memref<80xi32, #tpu.memory_space<vmem>>) semaphore(%arg7 : memref<!tpu.dma_semaphore, #tpu.memory_space<semaphore_mem>>)
      %dma_wait3A = tpu.memref_slice %arg5[%mul3A_13] : memref<400xi32, #tpu.memory_space<vmem>> -> memref<80xi32, #tpu.memory_space<vmem>>
      %dma_wait3A_17 = arith.constant 0 : i32
      %dma_wait3A_18 = arith.constant 0 : i32
      %dma_wait3A_19 = tpu.memref_slice %arg2[%dma_wait3A_17, %dma_wait3A_18] : memref<100000x128xf32, #tpu.memory_space<hbm>> -> memref<100000x128xf32, #tpu.memory_space<hbm>>
      tpu.wait_indirect_dma semaphore(%arg7 : memref<!tpu.dma_semaphore, #tpu.memory_space<semaphore_mem>>) src(%dma_wait3A_19 : memref<100000x128xf32, #tpu.memory_space<hbm>>) dst(%arg6 : memref<80x128xf32, #tpu.memory_space<vmem>>)
      %add3A_20 = arith.addi %mul3A_2, %mul3A_13 : i32
      "tpu.region"() ({
        %run_scoped3A = tpu.sem_alloc : memref<!tpu.dma_semaphore, #tpu.memory_space<semaphore_mem>>
        %dma_start3A_21 = arith.constant 0 : i32
        %dma_start3A_22 = tpu.memref_slice %arg4[%add3A_20, %dma_start3A_21] : memref<12800x128xf32, #tpu.memory_space<hbm>> -> memref<80x128xf32, #tpu.memory_space<hbm>>
        %dma_start3A_23 = arith.constant 0 : i32
        %dma_start3A_24 = tpu.memref_slice %arg4[%add3A_20, %dma_start3A_23] : memref<12800x128xf32, #tpu.memory_space<hbm>> -> memref<80x128xf32, #tpu.memory_space<hbm>>
        tpu.enqueue_dma source(%arg6 : memref<80x128xf32, #tpu.memory_space<vmem>>) target(%dma_start3A_24 : memref<80x128xf32, #tpu.memory_space<hbm>>) target_semaphore(%run_scoped3A : memref<!tpu.dma_semaphore, #tpu.memory_space<semaphore_mem>>)
        %dma_wait3A_25 = arith.constant 0 : i32
        %dma_wait3A_26 = tpu.memref_slice %arg4[%add3A_20, %dma_wait3A_25] : memref<12800x128xf32, #tpu.memory_space<hbm>> -> memref<80x128xf32, #tpu.memory_space<hbm>>
        %dma_wait3A_27 = arith.constant 0 : i32
        %dma_wait3A_28 = tpu.memref_slice %arg4[%add3A_20, %dma_wait3A_27] : memref<12800x128xf32, #tpu.memory_space<hbm>> -> memref<80x128xf32, #tpu.memory_space<hbm>>
        tpu.wait_dma2 semaphore(%run_scoped3A : memref<!tpu.dma_semaphore, #tpu.memory_space<semaphore_mem>>) src(%arg6 : memref<80x128xf32, #tpu.memory_space<vmem>>) dst(%dma_wait3A_28 : memref<80x128xf32, #tpu.memory_space<hbm>>)
        tpu.yield
      }) : () -> ()
    }
    %scan3A_6 = arith.constant 5 : i32
    return
  }
}

#map = affine_map<(d0, d1) -> (0, 0)>
#map1 = affine_map<(d0, d1) -> (0)>
module attributes {stable_mosaic.version = 14 : i64} {
  func.func @k(%arg0: i32, %arg1: i32, %arg2: memref<100000x128xf32, #tpu.memory_space<hbm>>, %arg3: memref<12800xi32, #tpu.memory_space<hbm>>, %arg4: memref<12800x128xf32, #tpu.memory_space<hbm>>, %arg5: memref<400xi32, #tpu.memory_space<vmem>>, %arg6: memref<80x128xf32, #tpu.memory_space<vmem>>, %arg7: memref<!tpu.dma_semaphore, #tpu.memory_space<semaphore_mem>>) attributes {dimension_semantics = [#tpu.dimension_semantics<core_parallel>, #tpu.dimension_semantics<subcore_parallel>], iteration_bounds = array<i64: 2, 16>, scalar_prefetch = 0 : i64, scratch_operands = 3 : i64, tpu.core_type = #tpu.core_type<sc_vector_subcore>, window_params = [{transform_indices = #map}, {transform_indices = #map1}, {transform_indices = #map}]} {
    %mul3A = arith.constant 2 : i32
    %mul3A_0 = arith.muli %arg1, %mul3A : i32
    %add3A = arith.addi %mul3A_0, %arg0 : i32
    %mul3A_1 = arith.constant 400 : i32
    %mul3A_2 = arith.muli %add3A, %mul3A_1 : i32
    "tpu.region"() ({
      %run_scoped3A = tpu.sem_alloc : memref<!tpu.dma_semaphore, #tpu.memory_space<semaphore_mem>>
      %dma_start3A = tpu.memref_slice %arg3[%mul3A_2] : memref<12800xi32, #tpu.memory_space<hbm>> -> memref<400xi32, #tpu.memory_space<hbm>>
      %dma_start3A_7 = tpu.memref_slice %arg3[%mul3A_2] : memref<12800xi32, #tpu.memory_space<hbm>> -> memref<400xi32, #tpu.memory_space<hbm>>
      tpu.enqueue_dma source(%dma_start3A_7 : memref<400xi32, #tpu.memory_space<hbm>>) target(%arg5 : memref<400xi32, #tpu.memory_space<vmem>>) target_semaphore(%run_scoped3A : memref<!tpu.dma_semaphore, #tpu.memory_space<semaphore_mem>>)
      %dma_wait3A = tpu.memref_slice %arg3[%mul3A_2] : memref<12800xi32, #tpu.memory_space<hbm>> -> memref<400xi32, #tpu.memory_space<hbm>>
      %dma_wait3A_8 = tpu.memref_slice %arg3[%mul3A_2] : memref<12800xi32, #tpu.memory_space<hbm>> -> memref<400xi32, #tpu.memory_space<hbm>>
      tpu.wait_dma2 semaphore(%run_scoped3A : memref<!tpu.dma_semaphore, #tpu.memory_space<semaphore_mem>>) src(%dma_wait3A_8 : memref<400xi32, #tpu.memory_space<hbm>>) dst(%arg5 : memref<400xi32, #tpu.memory_space<vmem>>)
      tpu.yield
    }) : () -> ()
    %scan3A = arith.constant 0 : i32
    %scan3A_3 = arith.constant 5 : i32
    %scan3A_4 = arith.addi %scan3A, %scan3A_3 : i32
    %scan3A_5 = arith.constant 1 : i32
    scf.for %scan3A_7 = %scan3A to %scan3A_4 step %scan3A_5  : i32 {
      %mul3A_8 = arith.constant 1 : i32
      %mul3A_9 = arith.muli %scan3A_7, %mul3A_8 : i32
      %add3A_10 = arith.constant 0 : i32
      %add3A_11 = arith.addi %add3A_10, %mul3A_9 : i32
      %mul3A_12 = arith.constant 80 : i32
      %mul3A_13 = arith.muli %add3A_11, %mul3A_12 : i32
      %dma_start3A = tpu.memref_slice %arg5[%mul3A_13] : memref<400xi32, #tpu.memory_space<vmem>> -> memref<80xi32, #tpu.memory_space<vmem>>
      %dma_start3A_14 = arith.constant 0 : i32
      %dma_start3A_15 = arith.constant 0 : i32
      %dma_start3A_16 = tpu.memref_slice %arg2[%dma_start3A_14, %dma_start3A_15] : memref<100000x128xf32, #tpu.memory_space<hbm>> -> memref<100000x128xf32, #tpu.memory_space<hbm>>
      tpu.enqueue_indirect_dma source(%dma_start3A_16 : memref<100000x128xf32, #tpu.memory_space<hbm>>) target(%arg6 : memref<80x128xf32, #tpu.memory_space<vmem>>) offsets(%dma_start3A : memref<80xi32, #tpu.memory_space<vmem>>) semaphore(%arg7 : memref<!tpu.dma_semaphore, #tpu.memory_space<semaphore_mem>>)
      %dma_wait3A = tpu.memref_slice %arg5[%mul3A_13] : memref<400xi32, #tpu.memory_space<vmem>> -> memref<80xi32, #tpu.memory_space<vmem>>
      %dma_wait3A_17 = arith.constant 0 : i32
      %dma_wait3A_18 = arith.constant 0 : i32
      %dma_wait3A_19 = tpu.memref_slice %arg2[%dma_wait3A_17, %dma_wait3A_18] : memref<100000x128xf32, #tpu.memory_space<hbm>> -> memref<100000x128xf32, #tpu.memory_space<hbm>>
      tpu.wait_indirect_dma semaphore(%arg7 : memref<!tpu.dma_semaphore, #tpu.memory_space<semaphore_mem>>) src(%dma_wait3A_19 : memref<100000x128xf32, #tpu.memory_space<hbm>>) dst(%arg6 : memref<80x128xf32, #tpu.memory_space<vmem>>)
      %add3A_20 = arith.addi %mul3A_2, %mul3A_13 : i32
      "tpu.region"() ({
        %run_scoped3A = tpu.sem_alloc : memref<!tpu.dma_semaphore, #tpu.memory_space<semaphore_mem>>
        %dma_start3A_21 = arith.constant 0 : i32
        %dma_start3A_22 = tpu.memref_slice %arg4[%add3A_20, %dma_start3A_21] : memref<12800x128xf32, #tpu.memory_space<hbm>> -> memref<80x128xf32, #tpu.memory_space<hbm>>
        %dma_start3A_23 = arith.constant 0 : i32
        %dma_start3A_24 = tpu.memref_slice %arg4[%add3A_20, %dma_start3A_23] : memref<12800x128xf32, #tpu.memory_space<hbm>> -> memref<80x128xf32, #tpu.memory_space<hbm>>
        tpu.enqueue_dma source(%arg6 : memref<80x128xf32, #tpu.memory_space<vmem>>) target(%dma_start3A_24 : memref<80x128xf32, #tpu.memory_space<hbm>>) target_semaphore(%run_scoped3A : memref<!tpu.dma_semaphore, #tpu.memory_space<semaphore_mem>>)
        %dma_wait3A_25 = arith.constant 0 : i32
        %dma_wait3A_26 = tpu.memref_slice %arg4[%add3A_20, %dma_wait3A_25] : memref<12800x128xf32, #tpu.memory_space<hbm>> -> memref<80x128xf32, #tpu.memory_space<hbm>>
        %dma_wait3A_27 = arith.constant 0 : i32
        %dma_wait3A_28 = tpu.memref_slice %arg4[%add3A_20, %dma_wait3A_27] : memref<12800x128xf32, #tpu.memory_space<hbm>> -> memref<80x128xf32, #tpu.memory_space<hbm>>
        tpu.wait_dma2 semaphore(%run_scoped3A : memref<!tpu.dma_semaphore, #tpu.memory_space<semaphore_mem>>) src(%arg6 : memref<80x128xf32, #tpu.memory_space<vmem>>) dst(%dma_wait3A_28 : memref<80x128xf32, #tpu.memory_space<hbm>>)
        tpu.yield
      }) : () -> ()
    }
    %scan3A_6 = arith.constant 5 : i32
    return
  }
}

#map = affine_map<(d0, d1) -> (0, 0)>
#map1 = affine_map<(d0, d1) -> (0)>
module attributes {stable_mosaic.version = 14 : i64} {
  func.func @k(%arg0: i32, %arg1: i32, %arg2: memref<100000x128xf32, #tpu.memory_space<hbm>>, %arg3: memref<12800xi32, #tpu.memory_space<hbm>>, %arg4: memref<12800x128xf32, #tpu.memory_space<hbm>>, %arg5: memref<400xi32, #tpu.memory_space<vmem>>, %arg6: memref<80x128xf32, #tpu.memory_space<vmem>>, %arg7: memref<!tpu.dma_semaphore, #tpu.memory_space<semaphore_mem>>) attributes {dimension_semantics = [#tpu.dimension_semantics<core_parallel>, #tpu.dimension_semantics<subcore_parallel>], iteration_bounds = array<i64: 2, 16>, scalar_prefetch = 0 : i64, scratch_operands = 3 : i64, tpu.core_type = #tpu.core_type<sc_vector_subcore>, window_params = [{transform_indices = #map}, {transform_indices = #map1}, {transform_indices = #map}]} {
    %mul3A = arith.constant 2 : i32
    %mul3A_0 = arith.muli %arg1, %mul3A : i32
    %add3A = arith.addi %mul3A_0, %arg0 : i32
    %mul3A_1 = arith.constant 400 : i32
    %mul3A_2 = arith.muli %add3A, %mul3A_1 : i32
    "tpu.region"() ({
      %run_scoped3A = tpu.sem_alloc : memref<!tpu.dma_semaphore, #tpu.memory_space<semaphore_mem>>
      %dma_start3A = tpu.memref_slice %arg3[%mul3A_2] : memref<12800xi32, #tpu.memory_space<hbm>> -> memref<400xi32, #tpu.memory_space<hbm>>
      %dma_start3A_7 = tpu.memref_slice %arg3[%mul3A_2] : memref<12800xi32, #tpu.memory_space<hbm>> -> memref<400xi32, #tpu.memory_space<hbm>>
      tpu.enqueue_dma source(%dma_start3A_7 : memref<400xi32, #tpu.memory_space<hbm>>) target(%arg5 : memref<400xi32, #tpu.memory_space<vmem>>) target_semaphore(%run_scoped3A : memref<!tpu.dma_semaphore, #tpu.memory_space<semaphore_mem>>)
      %dma_wait3A = tpu.memref_slice %arg3[%mul3A_2] : memref<12800xi32, #tpu.memory_space<hbm>> -> memref<400xi32, #tpu.memory_space<hbm>>
      %dma_wait3A_8 = tpu.memref_slice %arg3[%mul3A_2] : memref<12800xi32, #tpu.memory_space<hbm>> -> memref<400xi32, #tpu.memory_space<hbm>>
      tpu.wait_dma2 semaphore(%run_scoped3A : memref<!tpu.dma_semaphore, #tpu.memory_space<semaphore_mem>>) src(%dma_wait3A_8 : memref<400xi32, #tpu.memory_space<hbm>>) dst(%arg5 : memref<400xi32, #tpu.memory_space<vmem>>)
      tpu.yield
    }) : () -> ()
    %scan3A = arith.constant 0 : i32
    %scan3A_3 = arith.constant 5 : i32
    %scan3A_4 = arith.addi %scan3A, %scan3A_3 : i32
    %scan3A_5 = arith.constant 1 : i32
    scf.for %scan3A_7 = %scan3A to %scan3A_4 step %scan3A_5  : i32 {
      %mul3A_8 = arith.constant 1 : i32
      %mul3A_9 = arith.muli %scan3A_7, %mul3A_8 : i32
      %add3A_10 = arith.constant 0 : i32
      %add3A_11 = arith.addi %add3A_10, %mul3A_9 : i32
      %mul3A_12 = arith.constant 80 : i32
      %mul3A_13 = arith.muli %add3A_11, %mul3A_12 : i32
      %dma_start3A = tpu.memref_slice %arg5[%mul3A_13] : memref<400xi32, #tpu.memory_space<vmem>> -> memref<80xi32, #tpu.memory_space<vmem>>
      %dma_start3A_14 = arith.constant 0 : i32
      %dma_start3A_15 = arith.constant 0 : i32
      %dma_start3A_16 = tpu.memref_slice %arg2[%dma_start3A_14, %dma_start3A_15] : memref<100000x128xf32, #tpu.memory_space<hbm>> -> memref<100000x128xf32, #tpu.memory_space<hbm>>
      tpu.enqueue_indirect_dma source(%dma_start3A_16 : memref<100000x128xf32, #tpu.memory_space<hbm>>) target(%arg6 : memref<80x128xf32, #tpu.memory_space<vmem>>) offsets(%dma_start3A : memref<80xi32, #tpu.memory_space<vmem>>) semaphore(%arg7 : memref<!tpu.dma_semaphore, #tpu.memory_space<semaphore_mem>>)
      %dma_wait3A = tpu.memref_slice %arg5[%mul3A_13] : memref<400xi32, #tpu.memory_space<vmem>> -> memref<80xi32, #tpu.memory_space<vmem>>
      %dma_wait3A_17 = arith.constant 0 : i32
      %dma_wait3A_18 = arith.constant 0 : i32
      %dma_wait3A_19 = tpu.memref_slice %arg2[%dma_wait3A_17, %dma_wait3A_18] : memref<100000x128xf32, #tpu.memory_space<hbm>> -> memref<100000x128xf32, #tpu.memory_space<hbm>>
      tpu.wait_indirect_dma semaphore(%arg7 : memref<!tpu.dma_semaphore, #tpu.memory_space<semaphore_mem>>) src(%dma_wait3A_19 : memref<100000x128xf32, #tpu.memory_space<hbm>>) dst(%arg6 : memref<80x128xf32, #tpu.memory_space<vmem>>)
      %add3A_20 = arith.addi %mul3A_2, %mul3A_13 : i32
      "tpu.region"() ({
        %run_scoped3A = tpu.sem_alloc : memref<!tpu.dma_semaphore, #tpu.memory_space<semaphore_mem>>
        %dma_start3A_21 = arith.constant 0 : i32
        %dma_start3A_22 = tpu.memref_slice %arg4[%add3A_20, %dma_start3A_21] : memref<12800x128xf32, #tpu.memory_space<hbm>> -> memref<80x128xf32, #tpu.memory_space<hbm>>
        %dma_start3A_23 = arith.constant 0 : i32
        %dma_start3A_24 = tpu.memref_slice %arg4[%add3A_20, %dma_start3A_23] : memref<12800x128xf32, #tpu.memory_space<hbm>> -> memref<80x128xf32, #tpu.memory_space<hbm>>
        tpu.enqueue_dma source(%arg6 : memref<80x128xf32, #tpu.memory_space<vmem>>) target(%dma_start3A_24 : memref<80x128xf32, #tpu.memory_space<hbm>>) target_semaphore(%run_scoped3A : memref<!tpu.dma_semaphore, #tpu.memory_space<semaphore_mem>>)
        %dma_wait3A_25 = arith.constant 0 : i32
        %dma_wait3A_26 = tpu.memref_slice %arg4[%add3A_20, %dma_wait3A_25] : memref<12800x128xf32, #tpu.memory_space<hbm>> -> memref<80x128xf32, #tpu.memory_space<hbm>>
        %dma_wait3A_27 = arith.constant 0 : i32
        %dma_wait3A_28 = tpu.memref_slice %arg4[%add3A_20, %dma_wait3A_27] : memref<12800x128xf32, #tpu.memory_space<hbm>> -> memref<80x128xf32, #tpu.memory_space<hbm>>
        tpu.wait_dma2 semaphore(%run_scoped3A : memref<!tpu.dma_semaphore, #tpu.memory_space<semaphore_mem>>) src(%arg6 : memref<80x128xf32, #tpu.memory_space<vmem>>) dst(%dma_wait3A_28 : memref<80x128xf32, #tpu.memory_space<hbm>>)
        tpu.yield
      }) : () -> ()
    }
    %scan3A_6 = arith.constant 5 : i32
    return
  }
}

module attributes {stable_mosaic.version = 14 : i64} {
  func.func @_mm_body_first(%arg0: i32, %arg1: memref<400x1024xf32, #tpu.memory_space<vmem>>, %arg2: memref<400x1024xf32, #tpu.memory_space<vmem>>, %arg3: memref<400x1024xf32, #tpu.memory_space<vmem>>, %arg4: memref<400x1024xf32, #tpu.memory_space<vmem>>, %arg5: memref<1024x128xf32, #tpu.memory_space<vmem>>, %arg6: memref<1600x128xf32, #tpu.memory_space<vmem>>, %arg7: memref<1600x128xf32, #tpu.memory_space<vmem>>) attributes {dimension_semantics = [#tpu.dimension_semantics<arbitrary>], iteration_bounds = array<i64: 8>, scalar_prefetch = 0 : i64, scratch_operands = 0 : i64, tpu.core_type = #tpu.core_type<tc>, window_params = [{transform_indices = @transform_0, window_bounds = array<i64: 400, 1024>}, {transform_indices = @transform_1, window_bounds = array<i64: 400, 1024>}, {transform_indices = @transform_2, window_bounds = array<i64: 400, 1024>}, {transform_indices = @transform_3, window_bounds = array<i64: 400, 1024>}, {pipeline_mode = #tpu.pipeline_mode<synchronous>, transform_indices = @transform_4, window_bounds = array<i64: 1024, 128>}, {transform_indices = @transform_5, window_bounds = array<i64: 1600, 128>}, {transform_indices = @transform_6, window_bounds = array<i64: 1600, 128>}]} {
    %get3A = arith.constant 0 : index
    %get3A_0 = arith.constant 0 : index
    %get3A_1 = vector.load %arg5[%get3A, %get3A_0] : memref<1024x128xf32, #tpu.memory_space<vmem>>, vector<1024x128xf32>
    %convert_element_type3A = arith.truncf %get3A_1 : vector<1024x128xf32> to vector<1024x128xbf16>
    %get3A_2 = arith.constant 0 : index
    %get3A_3 = arith.constant 0 : index
    %get3A_4 = vector.load %arg1[%get3A_2, %get3A_3] : memref<400x1024xf32, #tpu.memory_space<vmem>>, vector<400x1024xf32>
    %convert_element_type3A_5 = arith.truncf %get3A_4 : vector<400x1024xf32> to vector<400x1024xbf16>
    %dot_general3A = arith.constant dense<0.000000e+00> : vector<400x128xf32>
    %dot_general3A_6 = tpu.matmul %convert_element_type3A_5, %convert_element_type3A, %dot_general3A {dimension_numbers = #tpu.dot_dimension_numbers<[1], [0], [0], [1], [0, 0, 1, 1], [], []>, transpose_lhs_hint = false} : vector<400x1024xbf16>, vector<1024x128xbf16>, vector<400x128xf32> -> vector<400x128xf32>
    %get3A_7 = arith.constant 0 : index
    %get3A_8 = arith.constant 0 : index
    %get3A_9 = vector.load %arg6[%get3A_7, %get3A_8] : memref<1600x128xf32, #tpu.memory_space<vmem>>, vector<400x128xf32>
    %add3A = arith.addf %dot_general3A_6, %get3A_9 : vector<400x128xf32>
    %swap3A = arith.constant 0 : index
    %swap3A_10 = arith.constant 0 : index
    %swap3A_11 = vector.load %arg7[%swap3A, %swap3A_10] : memref<1600x128xf32, #tpu.memory_space<vmem>>, vector<400x128xf32>
    tpu.vector_store %arg7[%swap3A, %swap3A_10], %add3A {strides = array<i32>} : memref<1600x128xf32, #tpu.memory_space<vmem>>, vector<400x128xf32>,
    %get3A_12 = arith.constant 0 : index
    %get3A_13 = arith.constant 0 : index
    %get3A_14 = vector.load %arg2[%get3A_12, %get3A_13] : memref<400x1024xf32, #tpu.memory_space<vmem>>, vector<400x1024xf32>
    %convert_element_type3A_15 = arith.truncf %get3A_14 : vector<400x1024xf32> to vector<400x1024xbf16>
    %dot_general3A_16 = arith.constant dense<0.000000e+00> : vector<400x128xf32>
    %dot_general3A_17 = tpu.matmul %convert_element_type3A_15, %convert_element_type3A, %dot_general3A_16 {dimension_numbers = #tpu.dot_dimension_numbers<[1], [0], [0], [1], [0, 0, 1, 1], [], []>, transpose_lhs_hint = false} : vector<400x1024xbf16>, vector<1024x128xbf16>, vector<400x128xf32> -> vector<400x128xf32>
    %get3A_18 = arith.constant 400 : index
    %get3A_19 = arith.constant 0 : index
    %get3A_20 = vector.load %arg6[%get3A_18, %get3A_19] : memref<1600x128xf32, #tpu.memory_space<vmem>>, vector<400x128xf32>
    %add3A_21 = arith.addf %dot_general3A_17, %get3A_20 : vector<400x128xf32>
    %swap3A_22 = arith.constant 400 : index
    %swap3A_23 = arith.constant 0 : index
    %swap3A_24 = vector.load %arg7[%swap3A_22, %swap3A_23] : memref<1600x128xf32, #tpu.memory_space<vmem>>, vector<400x128xf32>
    tpu.vector_store %arg7[%swap3A_22, %swap3A_23], %add3A_21 {strides = array<i32>} : memref<1600x128xf32, #tpu.memory_space<vmem>>, vector<400x128xf32>,
    %get3A_25 = arith.constant 0 : index
    %get3A_26 = arith.constant 0 : index
    %get3A_27 = vector.load %arg3[%get3A_25, %get3A_26] : memref<400x1024xf32, #tpu.memory_space<vmem>>, vector<400x1024xf32>
    %convert_element_type3A_28 = arith.truncf %get3A_27 : vector<400x1024xf32> to vector<400x1024xbf16>
    %dot_general3A_29 = arith.constant dense<0.000000e+00> : vector<400x128xf32>
    %dot_general3A_30 = tpu.matmul %convert_element_type3A_28, %convert_element_type3A, %dot_general3A_29 {dimension_numbers = #tpu.dot_dimension_numbers<[1], [0], [0], [1], [0, 0, 1, 1], [], []>, transpose_lhs_hint = false} : vector<400x1024xbf16>, vector<1024x128xbf16>, vector<400x128xf32> -> vector<400x128xf32>
    %get3A_31 = arith.constant 800 : index
    %get3A_32 = arith.constant 0 : index
    %get3A_33 = vector.load %arg6[%get3A_31, %get3A_32] : memref<1600x128xf32, #tpu.memory_space<vmem>>, vector<400x128xf32>
    %add3A_34 = arith.addf %dot_general3A_30, %get3A_33 : vector<400x128xf32>
    %swap3A_35 = arith.constant 800 : index
    %swap3A_36 = arith.constant 0 : index
    %swap3A_37 = vector.load %arg7[%swap3A_35, %swap3A_36] : memref<1600x128xf32, #tpu.memory_space<vmem>>, vector<400x128xf32>
    tpu.vector_store %arg7[%swap3A_35, %swap3A_36], %add3A_34 {strides = array<i32>} : memref<1600x128xf32, #tpu.memory_space<vmem>>, vector<400x128xf32>,
    %get3A_38 = arith.constant 0 : index
    %get3A_39 = arith.constant 0 : index
    %get3A_40 = vector.load %arg4[%get3A_38, %get3A_39] : memref<400x1024xf32, #tpu.memory_space<vmem>>, vector<400x1024xf32>
    %convert_element_type3A_41 = arith.truncf %get3A_40 : vector<400x1024xf32> to vector<400x1024xbf16>
    %dot_general3A_42 = arith.constant dense<0.000000e+00> : vector<400x128xf32>
    %dot_general3A_43 = tpu.matmul %convert_element_type3A_41, %convert_element_type3A, %dot_general3A_42 {dimension_numbers = #tpu.dot_dimension_numbers<[1], [0], [0], [1], [0, 0, 1, 1], [], []>, transpose_lhs_hint = false} : vector<400x1024xbf16>, vector<1024x128xbf16>, vector<400x128xf32> -> vector<400x128xf32>
    %get3A_44 = arith.constant 1200 : index
    %get3A_45 = arith.constant 0 : index
    %get3A_46 = vector.load %arg6[%get3A_44, %get3A_45] : memref<1600x128xf32, #tpu.memory_space<vmem>>, vector<400x128xf32>
    %add3A_47 = arith.addf %dot_general3A_43, %get3A_46 : vector<400x128xf32>
    %swap3A_48 = arith.constant 1200 : index
    %swap3A_49 = arith.constant 0 : index
    %swap3A_50 = vector.load %arg7[%swap3A_48, %swap3A_49] : memref<1600x128xf32, #tpu.memory_space<vmem>>, vector<400x128xf32>
    tpu.vector_store %arg7[%swap3A_48, %swap3A_49], %add3A_47 {strides = array<i32>} : memref<1600x128xf32, #tpu.memory_space<vmem>>, vector<400x128xf32>,
    return
  }
  func.func @transform_0(%arg0: i32) -> (i32, i32) {
    %add3A = arith.constant 0 : i32
    %add3A_0 = arith.addi %add3A, %arg0 : i32
    %mul3A = arith.constant 4 : i32
    %mul3A_1 = arith.muli %add3A_0, %mul3A : i32
    %add3A_2 = arith.constant 0 : i32
    %add3A_3 = arith.addi %mul3A_1, %add3A_2 : i32
    %c0_i32 = arith.constant 0 : i32
    %c0_i32_4 = arith.constant 0 : i32
    return %add3A_3, %c0_i32 : i32, i32
  }
  func.func @transform_1(%arg0: i32) -> (i32, i32) {
    %add3A = arith.constant 0 : i32
    %add3A_0 = arith.addi %add3A, %arg0 : i32
    %mul3A = arith.constant 4 : i32
    %mul3A_1 = arith.muli %add3A_0, %mul3A : i32
    %add3A_2 = arith.constant 1 : i32
    %add3A_3 = arith.addi %mul3A_1, %add3A_2 : i32
    %c0_i32 = arith.constant 0 : i32
    %c0_i32_4 = arith.constant 0 : i32
    return %add3A_3, %c0_i32 : i32, i32
  }
  func.func @transform_2(%arg0: i32) -> (i32, i32) {
    %add3A = arith.constant 0 : i32
    %add3A_0 = arith.addi %add3A, %arg0 : i32
    %mul3A = arith.constant 4 : i32
    %mul3A_1 = arith.muli %add3A_0, %mul3A : i32
    %add3A_2 = arith.constant 2 : i32
    %add3A_3 = arith.addi %mul3A_1, %add3A_2 : i32
    %c0_i32 = arith.constant 0 : i32
    %c0_i32_4 = arith.constant 0 : i32
    return %add3A_3, %c0_i32 : i32, i32
  }
  func.func @transform_3(%arg0: i32) -> (i32, i32) {
    %add3A = arith.constant 0 : i32
    %add3A_0 = arith.addi %add3A, %arg0 : i32
    %mul3A = arith.constant 4 : i32
    %mul3A_1 = arith.muli %add3A_0, %mul3A : i32
    %add3A_2 = arith.constant 3 : i32
    %add3A_3 = arith.addi %mul3A_1, %add3A_2 : i32
    %c0_i32 = arith.constant 0 : i32
    %c0_i32_4 = arith.constant 0 : i32
    return %add3A_3, %c0_i32 : i32, i32
  }
  func.func @transform_4(%arg0: i32) -> (i32, i32) {
    %c0_i32 = arith.constant 0 : i32
    %c0_i32_0 = arith.constant 0 : i32
    %c0_i32_1 = arith.constant 0 : i32
    return %c0_i32, %c0_i32_0 : i32, i32
  }
  func.func @transform_5(%arg0: i32) -> (i32, i32) {
    %c0_i32 = arith.constant 0 : i32
    %c0_i32_0 = arith.constant 0 : i32
    return %arg0, %c0_i32 : i32, i32
  }
  func.func @transform_6(%arg0: i32) -> (i32, i32) {
    %add3A = arith.constant 0 : i32
    %add3A_0 = arith.addi %add3A, %arg0 : i32
    %c0_i32 = arith.constant 0 : i32
    %c0_i32_1 = arith.constant 0 : i32
    return %add3A_0, %c0_i32 : i32, i32
  }
}

module attributes {stable_mosaic.version = 14 : i64} {
  func.func @_mm_body_rest(%arg0: i32, %arg1: memref<400x1024xf32, #tpu.memory_space<vmem>>, %arg2: memref<400x1024xf32, #tpu.memory_space<vmem>>, %arg3: memref<400x1024xf32, #tpu.memory_space<vmem>>, %arg4: memref<400x1024xf32, #tpu.memory_space<vmem>>, %arg5: memref<1024x128xf32, #tpu.memory_space<vmem>>, %arg6: memref<1600x128xf32, #tpu.memory_space<vmem>>, %arg7: memref<51200x128xf32, #tpu.memory_space<any>>, %arg8: memref<1600x128xf32, #tpu.memory_space<vmem>>) attributes {dimension_semantics = [#tpu.dimension_semantics<arbitrary>], iteration_bounds = array<i64: 8>, scalar_prefetch = 0 : i64, scratch_operands = 0 : i64, tpu.core_type = #tpu.core_type<tc>, window_params = [{transform_indices = @transform_0, window_bounds = array<i64: 400, 1024>}, {transform_indices = @transform_1, window_bounds = array<i64: 400, 1024>}, {transform_indices = @transform_2, window_bounds = array<i64: 400, 1024>}, {transform_indices = @transform_3, window_bounds = array<i64: 400, 1024>}, {pipeline_mode = #tpu.pipeline_mode<synchronous>, transform_indices = @transform_4, window_bounds = array<i64: 1024, 128>}, {transform_indices = @transform_5, window_bounds = array<i64: 1600, 128>}, {}, {transform_indices = @transform_7, window_bounds = array<i64: 1600, 128>}]} {
    %get3A = arith.constant 0 : index
    %get3A_0 = arith.constant 0 : index
    %get3A_1 = vector.load %arg5[%get3A, %get3A_0] : memref<1024x128xf32, #tpu.memory_space<vmem>>, vector<1024x128xf32>
    %convert_element_type3A = arith.truncf %get3A_1 : vector<1024x128xf32> to vector<1024x128xbf16>
    %get3A_2 = arith.constant 0 : index
    %get3A_3 = arith.constant 0 : index
    %get3A_4 = vector.load %arg1[%get3A_2, %get3A_3] : memref<400x1024xf32, #tpu.memory_space<vmem>>, vector<400x1024xf32>
    %convert_element_type3A_5 = arith.truncf %get3A_4 : vector<400x1024xf32> to vector<400x1024xbf16>
    %dot_general3A = arith.constant dense<0.000000e+00> : vector<400x128xf32>
    %dot_general3A_6 = tpu.matmul %convert_element_type3A_5, %convert_element_type3A, %dot_general3A {dimension_numbers = #tpu.dot_dimension_numbers<[1], [0], [0], [1], [0, 0, 1, 1], [], []>, transpose_lhs_hint = false} : vector<400x1024xbf16>, vector<1024x128xbf16>, vector<400x128xf32> -> vector<400x128xf32>
    %get3A_7 = arith.constant 0 : index
    %get3A_8 = arith.constant 0 : index
    %get3A_9 = vector.load %arg6[%get3A_7, %get3A_8] : memref<1600x128xf32, #tpu.memory_space<vmem>>, vector<400x128xf32>
    %add3A = arith.addf %dot_general3A_6, %get3A_9 : vector<400x128xf32>
    %swap3A = arith.constant 0 : index
    %swap3A_10 = arith.constant 0 : index
    %swap3A_11 = vector.load %arg8[%swap3A, %swap3A_10] : memref<1600x128xf32, #tpu.memory_space<vmem>>, vector<400x128xf32>
    tpu.vector_store %arg8[%swap3A, %swap3A_10], %add3A {strides = array<i32>} : memref<1600x128xf32, #tpu.memory_space<vmem>>, vector<400x128xf32>,
    %get3A_12 = arith.constant 0 : index
    %get3A_13 = arith.constant 0 : index
    %get3A_14 = vector.load %arg2[%get3A_12, %get3A_13] : memref<400x1024xf32, #tpu.memory_space<vmem>>, vector<400x1024xf32>
    %convert_element_type3A_15 = arith.truncf %get3A_14 : vector<400x1024xf32> to vector<400x1024xbf16>
    %dot_general3A_16 = arith.constant dense<0.000000e+00> : vector<400x128xf32>
    %dot_general3A_17 = tpu.matmul %convert_element_type3A_15, %convert_element_type3A, %dot_general3A_16 {dimension_numbers = #tpu.dot_dimension_numbers<[1], [0], [0], [1], [0, 0, 1, 1], [], []>, transpose_lhs_hint = false} : vector<400x1024xbf16>, vector<1024x128xbf16>, vector<400x128xf32> -> vector<400x128xf32>
    %get3A_18 = arith.constant 400 : index
    %get3A_19 = arith.constant 0 : index
    %get3A_20 = vector.load %arg6[%get3A_18, %get3A_19] : memref<1600x128xf32, #tpu.memory_space<vmem>>, vector<400x128xf32>
    %add3A_21 = arith.addf %dot_general3A_17, %get3A_20 : vector<400x128xf32>
    %swap3A_22 = arith.constant 400 : index
    %swap3A_23 = arith.constant 0 : index
    %swap3A_24 = vector.load %arg8[%swap3A_22, %swap3A_23] : memref<1600x128xf32, #tpu.memory_space<vmem>>, vector<400x128xf32>
    tpu.vector_store %arg8[%swap3A_22, %swap3A_23], %add3A_21 {strides = array<i32>} : memref<1600x128xf32, #tpu.memory_space<vmem>>, vector<400x128xf32>,
    %get3A_25 = arith.constant 0 : index
    %get3A_26 = arith.constant 0 : index
    %get3A_27 = vector.load %arg3[%get3A_25, %get3A_26] : memref<400x1024xf32, #tpu.memory_space<vmem>>, vector<400x1024xf32>
    %convert_element_type3A_28 = arith.truncf %get3A_27 : vector<400x1024xf32> to vector<400x1024xbf16>
    %dot_general3A_29 = arith.constant dense<0.000000e+00> : vector<400x128xf32>
    %dot_general3A_30 = tpu.matmul %convert_element_type3A_28, %convert_element_type3A, %dot_general3A_29 {dimension_numbers = #tpu.dot_dimension_numbers<[1], [0], [0], [1], [0, 0, 1, 1], [], []>, transpose_lhs_hint = false} : vector<400x1024xbf16>, vector<1024x128xbf16>, vector<400x128xf32> -> vector<400x128xf32>
    %get3A_31 = arith.constant 800 : index
    %get3A_32 = arith.constant 0 : index
    %get3A_33 = vector.load %arg6[%get3A_31, %get3A_32] : memref<1600x128xf32, #tpu.memory_space<vmem>>, vector<400x128xf32>
    %add3A_34 = arith.addf %dot_general3A_30, %get3A_33 : vector<400x128xf32>
    %swap3A_35 = arith.constant 800 : index
    %swap3A_36 = arith.constant 0 : index
    %swap3A_37 = vector.load %arg8[%swap3A_35, %swap3A_36] : memref<1600x128xf32, #tpu.memory_space<vmem>>, vector<400x128xf32>
    tpu.vector_store %arg8[%swap3A_35, %swap3A_36], %add3A_34 {strides = array<i32>} : memref<1600x128xf32, #tpu.memory_space<vmem>>, vector<400x128xf32>,
    %get3A_38 = arith.constant 0 : index
    %get3A_39 = arith.constant 0 : index
    %get3A_40 = vector.load %arg4[%get3A_38, %get3A_39] : memref<400x1024xf32, #tpu.memory_space<vmem>>, vector<400x1024xf32>
    %convert_element_type3A_41 = arith.truncf %get3A_40 : vector<400x1024xf32> to vector<400x1024xbf16>
    %dot_general3A_42 = arith.constant dense<0.000000e+00> : vector<400x128xf32>
    %dot_general3A_43 = tpu.matmul %convert_element_type3A_41, %convert_element_type3A, %dot_general3A_42 {dimension_numbers = #tpu.dot_dimension_numbers<[1], [0], [0], [1], [0, 0, 1, 1], [], []>, transpose_lhs_hint = false} : vector<400x1024xbf16>, vector<1024x128xbf16>, vector<400x128xf32> -> vector<400x128xf32>
    %get3A_44 = arith.constant 1200 : index
    %get3A_45 = arith.constant 0 : index
    %get3A_46 = vector.load %arg6[%get3A_44, %get3A_45] : memref<1600x128xf32, #tpu.memory_space<vmem>>, vector<400x128xf32>
    %add3A_47 = arith.addf %dot_general3A_43, %get3A_46 : vector<400x128xf32>
    %swap3A_48 = arith.constant 1200 : index
    %swap3A_49 = arith.constant 0 : index
    %swap3A_50 = vector.load %arg8[%swap3A_48, %swap3A_49] : memref<1600x128xf32, #tpu.memory_space<vmem>>, vector<400x128xf32>
    tpu.vector_store %arg8[%swap3A_48, %swap3A_49], %add3A_47 {strides = array<i32>} : memref<1600x128xf32, #tpu.memory_space<vmem>>, vector<400x128xf32>,
    return
  }
  func.func @transform_0(%arg0: i32) -> (i32, i32) {
    %add3A = arith.constant 8 : i32
    %add3A_0 = arith.addi %add3A, %arg0 : i32
    %mul3A = arith.constant 4 : i32
    %mul3A_1 = arith.muli %add3A_0, %mul3A : i32
    %add3A_2 = arith.constant 0 : i32
    %add3A_3 = arith.addi %mul3A_1, %add3A_2 : i32
    %c0_i32 = arith.constant 0 : i32
    %c0_i32_4 = arith.constant 0 : i32
    return %add3A_3, %c0_i32 : i32, i32
  }
  func.func @transform_1(%arg0: i32) -> (i32, i32) {
    %add3A = arith.constant 8 : i32
    %add3A_0 = arith.addi %add3A, %arg0 : i32
    %mul3A = arith.constant 4 : i32
    %mul3A_1 = arith.muli %add3A_0, %mul3A : i32
    %add3A_2 = arith.constant 1 : i32
    %add3A_3 = arith.addi %mul3A_1, %add3A_2 : i32
    %c0_i32 = arith.constant 0 : i32
    %c0_i32_4 = arith.constant 0 : i32
    return %add3A_3, %c0_i32 : i32, i32
  }
  func.func @transform_2(%arg0: i32) -> (i32, i32) {
    %add3A = arith.constant 8 : i32
    %add3A_0 = arith.addi %add3A, %arg0 : i32
    %mul3A = arith.constant 4 : i32
    %mul3A_1 = arith.muli %add3A_0, %mul3A : i32
    %add3A_2 = arith.constant 2 : i32
    %add3A_3 = arith.addi %mul3A_1, %add3A_2 : i32
    %c0_i32 = arith.constant 0 : i32
    %c0_i32_4 = arith.constant 0 : i32
    return %add3A_3, %c0_i32 : i32, i32
  }
  func.func @transform_3(%arg0: i32) -> (i32, i32) {
    %add3A = arith.constant 8 : i32
    %add3A_0 = arith.addi %add3A, %arg0 : i32
    %mul3A = arith.constant 4 : i32
    %mul3A_1 = arith.muli %add3A_0, %mul3A : i32
    %add3A_2 = arith.constant 3 : i32
    %add3A_3 = arith.addi %mul3A_1, %add3A_2 : i32
    %c0_i32 = arith.constant 0 : i32
    %c0_i32_4 = arith.constant 0 : i32
    return %add3A_3, %c0_i32 : i32, i32
  }
  func.func @transform_4(%arg0: i32) -> (i32, i32) {
    %c0_i32 = arith.constant 0 : i32
    %c0_i32_0 = arith.constant 0 : i32
    %c0_i32_1 = arith.constant 0 : i32
    return %c0_i32, %c0_i32_0 : i32, i32
  }
  func.func @transform_5(%arg0: i32) -> (i32, i32) {
    %c0_i32 = arith.constant 0 : i32
    %c0_i32_0 = arith.constant 0 : i32
    return %arg0, %c0_i32 : i32, i32
  }
  func.func @transform_7(%arg0: i32) -> (i32, i32) {
    %add3A = arith.constant 8 : i32
    %add3A_0 = arith.addi %add3A, %arg0 : i32
    %c0_i32 = arith.constant 0 : i32
    %c0_i32_1 = arith.constant 0 : i32
    return %add3A_0, %c0_i32 : i32, i32
  }
}

module attributes {stable_mosaic.version = 14 : i64} {
  func.func @_mm_body_rest(%arg0: i32, %arg1: memref<400x1024xf32, #tpu.memory_space<vmem>>, %arg2: memref<400x1024xf32, #tpu.memory_space<vmem>>, %arg3: memref<400x1024xf32, #tpu.memory_space<vmem>>, %arg4: memref<400x1024xf32, #tpu.memory_space<vmem>>, %arg5: memref<1024x128xf32, #tpu.memory_space<vmem>>, %arg6: memref<1600x128xf32, #tpu.memory_space<vmem>>, %arg7: memref<51200x128xf32, #tpu.memory_space<any>>, %arg8: memref<1600x128xf32, #tpu.memory_space<vmem>>) attributes {dimension_semantics = [#tpu.dimension_semantics<arbitrary>], iteration_bounds = array<i64: 8>, scalar_prefetch = 0 : i64, scratch_operands = 0 : i64, tpu.core_type = #tpu.core_type<tc>, window_params = [{transform_indices = @transform_0, window_bounds = array<i64: 400, 1024>}, {transform_indices = @transform_1, window_bounds = array<i64: 400, 1024>}, {transform_indices = @transform_2, window_bounds = array<i64: 400, 1024>}, {transform_indices = @transform_3, window_bounds = array<i64: 400, 1024>}, {pipeline_mode = #tpu.pipeline_mode<synchronous>, transform_indices = @transform_4, window_bounds = array<i64: 1024, 128>}, {transform_indices = @transform_5, window_bounds = array<i64: 1600, 128>}, {}, {transform_indices = @transform_7, window_bounds = array<i64: 1600, 128>}]} {
    %get3A = arith.constant 0 : index
    %get3A_0 = arith.constant 0 : index
    %get3A_1 = vector.load %arg5[%get3A, %get3A_0] : memref<1024x128xf32, #tpu.memory_space<vmem>>, vector<1024x128xf32>
    %convert_element_type3A = arith.truncf %get3A_1 : vector<1024x128xf32> to vector<1024x128xbf16>
    %get3A_2 = arith.constant 0 : index
    %get3A_3 = arith.constant 0 : index
    %get3A_4 = vector.load %arg1[%get3A_2, %get3A_3] : memref<400x1024xf32, #tpu.memory_space<vmem>>, vector<400x1024xf32>
    %convert_element_type3A_5 = arith.truncf %get3A_4 : vector<400x1024xf32> to vector<400x1024xbf16>
    %dot_general3A = arith.constant dense<0.000000e+00> : vector<400x128xf32>
    %dot_general3A_6 = tpu.matmul %convert_element_type3A_5, %convert_element_type3A, %dot_general3A {dimension_numbers = #tpu.dot_dimension_numbers<[1], [0], [0], [1], [0, 0, 1, 1], [], []>, transpose_lhs_hint = false} : vector<400x1024xbf16>, vector<1024x128xbf16>, vector<400x128xf32> -> vector<400x128xf32>
    %get3A_7 = arith.constant 0 : index
    %get3A_8 = arith.constant 0 : index
    %get3A_9 = vector.load %arg6[%get3A_7, %get3A_8] : memref<1600x128xf32, #tpu.memory_space<vmem>>, vector<400x128xf32>
    %add3A = arith.addf %dot_general3A_6, %get3A_9 : vector<400x128xf32>
    %swap3A = arith.constant 0 : index
    %swap3A_10 = arith.constant 0 : index
    %swap3A_11 = vector.load %arg8[%swap3A, %swap3A_10] : memref<1600x128xf32, #tpu.memory_space<vmem>>, vector<400x128xf32>
    tpu.vector_store %arg8[%swap3A, %swap3A_10], %add3A {strides = array<i32>} : memref<1600x128xf32, #tpu.memory_space<vmem>>, vector<400x128xf32>,
    %get3A_12 = arith.constant 0 : index
    %get3A_13 = arith.constant 0 : index
    %get3A_14 = vector.load %arg2[%get3A_12, %get3A_13] : memref<400x1024xf32, #tpu.memory_space<vmem>>, vector<400x1024xf32>
    %convert_element_type3A_15 = arith.truncf %get3A_14 : vector<400x1024xf32> to vector<400x1024xbf16>
    %dot_general3A_16 = arith.constant dense<0.000000e+00> : vector<400x128xf32>
    %dot_general3A_17 = tpu.matmul %convert_element_type3A_15, %convert_element_type3A, %dot_general3A_16 {dimension_numbers = #tpu.dot_dimension_numbers<[1], [0], [0], [1], [0, 0, 1, 1], [], []>, transpose_lhs_hint = false} : vector<400x1024xbf16>, vector<1024x128xbf16>, vector<400x128xf32> -> vector<400x128xf32>
    %get3A_18 = arith.constant 400 : index
    %get3A_19 = arith.constant 0 : index
    %get3A_20 = vector.load %arg6[%get3A_18, %get3A_19] : memref<1600x128xf32, #tpu.memory_space<vmem>>, vector<400x128xf32>
    %add3A_21 = arith.addf %dot_general3A_17, %get3A_20 : vector<400x128xf32>
    %swap3A_22 = arith.constant 400 : index
    %swap3A_23 = arith.constant 0 : index
    %swap3A_24 = vector.load %arg8[%swap3A_22, %swap3A_23] : memref<1600x128xf32, #tpu.memory_space<vmem>>, vector<400x128xf32>
    tpu.vector_store %arg8[%swap3A_22, %swap3A_23], %add3A_21 {strides = array<i32>} : memref<1600x128xf32, #tpu.memory_space<vmem>>, vector<400x128xf32>,
    %get3A_25 = arith.constant 0 : index
    %get3A_26 = arith.constant 0 : index
    %get3A_27 = vector.load %arg3[%get3A_25, %get3A_26] : memref<400x1024xf32, #tpu.memory_space<vmem>>, vector<400x1024xf32>
    %convert_element_type3A_28 = arith.truncf %get3A_27 : vector<400x1024xf32> to vector<400x1024xbf16>
    %dot_general3A_29 = arith.constant dense<0.000000e+00> : vector<400x128xf32>
    %dot_general3A_30 = tpu.matmul %convert_element_type3A_28, %convert_element_type3A, %dot_general3A_29 {dimension_numbers = #tpu.dot_dimension_numbers<[1], [0], [0], [1], [0, 0, 1, 1], [], []>, transpose_lhs_hint = false} : vector<400x1024xbf16>, vector<1024x128xbf16>, vector<400x128xf32> -> vector<400x128xf32>
    %get3A_31 = arith.constant 800 : index
    %get3A_32 = arith.constant 0 : index
    %get3A_33 = vector.load %arg6[%get3A_31, %get3A_32] : memref<1600x128xf32, #tpu.memory_space<vmem>>, vector<400x128xf32>
    %add3A_34 = arith.addf %dot_general3A_30, %get3A_33 : vector<400x128xf32>
    %swap3A_35 = arith.constant 800 : index
    %swap3A_36 = arith.constant 0 : index
    %swap3A_37 = vector.load %arg8[%swap3A_35, %swap3A_36] : memref<1600x128xf32, #tpu.memory_space<vmem>>, vector<400x128xf32>
    tpu.vector_store %arg8[%swap3A_35, %swap3A_36], %add3A_34 {strides = array<i32>} : memref<1600x128xf32, #tpu.memory_space<vmem>>, vector<400x128xf32>,
    %get3A_38 = arith.constant 0 : index
    %get3A_39 = arith.constant 0 : index
    %get3A_40 = vector.load %arg4[%get3A_38, %get3A_39] : memref<400x1024xf32, #tpu.memory_space<vmem>>, vector<400x1024xf32>
    %convert_element_type3A_41 = arith.truncf %get3A_40 : vector<400x1024xf32> to vector<400x1024xbf16>
    %dot_general3A_42 = arith.constant dense<0.000000e+00> : vector<400x128xf32>
    %dot_general3A_43 = tpu.matmul %convert_element_type3A_41, %convert_element_type3A, %dot_general3A_42 {dimension_numbers = #tpu.dot_dimension_numbers<[1], [0], [0], [1], [0, 0, 1, 1], [], []>, transpose_lhs_hint = false} : vector<400x1024xbf16>, vector<1024x128xbf16>, vector<400x128xf32> -> vector<400x128xf32>
    %get3A_44 = arith.constant 1200 : index
    %get3A_45 = arith.constant 0 : index
    %get3A_46 = vector.load %arg6[%get3A_44, %get3A_45] : memref<1600x128xf32, #tpu.memory_space<vmem>>, vector<400x128xf32>
    %add3A_47 = arith.addf %dot_general3A_43, %get3A_46 : vector<400x128xf32>
    %swap3A_48 = arith.constant 1200 : index
    %swap3A_49 = arith.constant 0 : index
    %swap3A_50 = vector.load %arg8[%swap3A_48, %swap3A_49] : memref<1600x128xf32, #tpu.memory_space<vmem>>, vector<400x128xf32>
    tpu.vector_store %arg8[%swap3A_48, %swap3A_49], %add3A_47 {strides = array<i32>} : memref<1600x128xf32, #tpu.memory_space<vmem>>, vector<400x128xf32>,
    return
  }
  func.func @transform_0(%arg0: i32) -> (i32, i32) {
    %add3A = arith.constant 16 : i32
    %add3A_0 = arith.addi %add3A, %arg0 : i32
    %mul3A = arith.constant 4 : i32
    %mul3A_1 = arith.muli %add3A_0, %mul3A : i32
    %add3A_2 = arith.constant 0 : i32
    %add3A_3 = arith.addi %mul3A_1, %add3A_2 : i32
    %c0_i32 = arith.constant 0 : i32
    %c0_i32_4 = arith.constant 0 : i32
    return %add3A_3, %c0_i32 : i32, i32
  }
  func.func @transform_1(%arg0: i32) -> (i32, i32) {
    %add3A = arith.constant 16 : i32
    %add3A_0 = arith.addi %add3A, %arg0 : i32
    %mul3A = arith.constant 4 : i32
    %mul3A_1 = arith.muli %add3A_0, %mul3A : i32
    %add3A_2 = arith.constant 1 : i32
    %add3A_3 = arith.addi %mul3A_1, %add3A_2 : i32
    %c0_i32 = arith.constant 0 : i32
    %c0_i32_4 = arith.constant 0 : i32
    return %add3A_3, %c0_i32 : i32, i32
  }
  func.func @transform_2(%arg0: i32) -> (i32, i32) {
    %add3A = arith.constant 16 : i32
    %add3A_0 = arith.addi %add3A, %arg0 : i32
    %mul3A = arith.constant 4 : i32
    %mul3A_1 = arith.muli %add3A_0, %mul3A : i32
    %add3A_2 = arith.constant 2 : i32
    %add3A_3 = arith.addi %mul3A_1, %add3A_2 : i32
    %c0_i32 = arith.constant 0 : i32
    %c0_i32_4 = arith.constant 0 : i32
    return %add3A_3, %c0_i32 : i32, i32
  }
  func.func @transform_3(%arg0: i32) -> (i32, i32) {
    %add3A = arith.constant 16 : i32
    %add3A_0 = arith.addi %add3A, %arg0 : i32
    %mul3A = arith.constant 4 : i32
    %mul3A_1 = arith.muli %add3A_0, %mul3A : i32
    %add3A_2 = arith.constant 3 : i32
    %add3A_3 = arith.addi %mul3A_1, %add3A_2 : i32
    %c0_i32 = arith.constant 0 : i32
    %c0_i32_4 = arith.constant 0 : i32
    return %add3A_3, %c0_i32 : i32, i32
  }
  func.func @transform_4(%arg0: i32) -> (i32, i32) {
    %c0_i32 = arith.constant 0 : i32
    %c0_i32_0 = arith.constant 0 : i32
    %c0_i32_1 = arith.constant 0 : i32
    return %c0_i32, %c0_i32_0 : i32, i32
  }
  func.func @transform_5(%arg0: i32) -> (i32, i32) {
    %c0_i32 = arith.constant 0 : i32
    %c0_i32_0 = arith.constant 0 : i32
    return %arg0, %c0_i32 : i32, i32
  }
  func.func @transform_7(%arg0: i32) -> (i32, i32) {
    %add3A = arith.constant 16 : i32
    %add3A_0 = arith.addi %add3A, %arg0 : i32
    %c0_i32 = arith.constant 0 : i32
    %c0_i32_1 = arith.constant 0 : i32
    return %add3A_0, %c0_i32 : i32, i32
  }
}

module attributes {stable_mosaic.version = 14 : i64} {
  func.func @_mm_body_rest(%arg0: i32, %arg1: memref<400x1024xf32, #tpu.memory_space<vmem>>, %arg2: memref<400x1024xf32, #tpu.memory_space<vmem>>, %arg3: memref<400x1024xf32, #tpu.memory_space<vmem>>, %arg4: memref<400x1024xf32, #tpu.memory_space<vmem>>, %arg5: memref<1024x128xf32, #tpu.memory_space<vmem>>, %arg6: memref<1600x128xf32, #tpu.memory_space<vmem>>, %arg7: memref<51200x128xf32, #tpu.memory_space<any>>, %arg8: memref<1600x128xf32, #tpu.memory_space<vmem>>) attributes {dimension_semantics = [#tpu.dimension_semantics<arbitrary>], iteration_bounds = array<i64: 8>, scalar_prefetch = 0 : i64, scratch_operands = 0 : i64, tpu.core_type = #tpu.core_type<tc>, window_params = [{transform_indices = @transform_0, window_bounds = array<i64: 400, 1024>}, {transform_indices = @transform_1, window_bounds = array<i64: 400, 1024>}, {transform_indices = @transform_2, window_bounds = array<i64: 400, 1024>}, {transform_indices = @transform_3, window_bounds = array<i64: 400, 1024>}, {pipeline_mode = #tpu.pipeline_mode<synchronous>, transform_indices = @transform_4, window_bounds = array<i64: 1024, 128>}, {transform_indices = @transform_5, window_bounds = array<i64: 1600, 128>}, {}, {transform_indices = @transform_7, window_bounds = array<i64: 1600, 128>}]} {
    %get3A = arith.constant 0 : index
    %get3A_0 = arith.constant 0 : index
    %get3A_1 = vector.load %arg5[%get3A, %get3A_0] : memref<1024x128xf32, #tpu.memory_space<vmem>>, vector<1024x128xf32>
    %convert_element_type3A = arith.truncf %get3A_1 : vector<1024x128xf32> to vector<1024x128xbf16>
    %get3A_2 = arith.constant 0 : index
    %get3A_3 = arith.constant 0 : index
    %get3A_4 = vector.load %arg1[%get3A_2, %get3A_3] : memref<400x1024xf32, #tpu.memory_space<vmem>>, vector<400x1024xf32>
    %convert_element_type3A_5 = arith.truncf %get3A_4 : vector<400x1024xf32> to vector<400x1024xbf16>
    %dot_general3A = arith.constant dense<0.000000e+00> : vector<400x128xf32>
    %dot_general3A_6 = tpu.matmul %convert_element_type3A_5, %convert_element_type3A, %dot_general3A {dimension_numbers = #tpu.dot_dimension_numbers<[1], [0], [0], [1], [0, 0, 1, 1], [], []>, transpose_lhs_hint = false} : vector<400x1024xbf16>, vector<1024x128xbf16>, vector<400x128xf32> -> vector<400x128xf32>
    %get3A_7 = arith.constant 0 : index
    %get3A_8 = arith.constant 0 : index
    %get3A_9 = vector.load %arg6[%get3A_7, %get3A_8] : memref<1600x128xf32, #tpu.memory_space<vmem>>, vector<400x128xf32>
    %add3A = arith.addf %dot_general3A_6, %get3A_9 : vector<400x128xf32>
    %swap3A = arith.constant 0 : index
    %swap3A_10 = arith.constant 0 : index
    %swap3A_11 = vector.load %arg8[%swap3A, %swap3A_10] : memref<1600x128xf32, #tpu.memory_space<vmem>>, vector<400x128xf32>
    tpu.vector_store %arg8[%swap3A, %swap3A_10], %add3A {strides = array<i32>} : memref<1600x128xf32, #tpu.memory_space<vmem>>, vector<400x128xf32>,
    %get3A_12 = arith.constant 0 : index
    %get3A_13 = arith.constant 0 : index
    %get3A_14 = vector.load %arg2[%get3A_12, %get3A_13] : memref<400x1024xf32, #tpu.memory_space<vmem>>, vector<400x1024xf32>
    %convert_element_type3A_15 = arith.truncf %get3A_14 : vector<400x1024xf32> to vector<400x1024xbf16>
    %dot_general3A_16 = arith.constant dense<0.000000e+00> : vector<400x128xf32>
    %dot_general3A_17 = tpu.matmul %convert_element_type3A_15, %convert_element_type3A, %dot_general3A_16 {dimension_numbers = #tpu.dot_dimension_numbers<[1], [0], [0], [1], [0, 0, 1, 1], [], []>, transpose_lhs_hint = false} : vector<400x1024xbf16>, vector<1024x128xbf16>, vector<400x128xf32> -> vector<400x128xf32>
    %get3A_18 = arith.constant 400 : index
    %get3A_19 = arith.constant 0 : index
    %get3A_20 = vector.load %arg6[%get3A_18, %get3A_19] : memref<1600x128xf32, #tpu.memory_space<vmem>>, vector<400x128xf32>
    %add3A_21 = arith.addf %dot_general3A_17, %get3A_20 : vector<400x128xf32>
    %swap3A_22 = arith.constant 400 : index
    %swap3A_23 = arith.constant 0 : index
    %swap3A_24 = vector.load %arg8[%swap3A_22, %swap3A_23] : memref<1600x128xf32, #tpu.memory_space<vmem>>, vector<400x128xf32>
    tpu.vector_store %arg8[%swap3A_22, %swap3A_23], %add3A_21 {strides = array<i32>} : memref<1600x128xf32, #tpu.memory_space<vmem>>, vector<400x128xf32>,
    %get3A_25 = arith.constant 0 : index
    %get3A_26 = arith.constant 0 : index
    %get3A_27 = vector.load %arg3[%get3A_25, %get3A_26] : memref<400x1024xf32, #tpu.memory_space<vmem>>, vector<400x1024xf32>
    %convert_element_type3A_28 = arith.truncf %get3A_27 : vector<400x1024xf32> to vector<400x1024xbf16>
    %dot_general3A_29 = arith.constant dense<0.000000e+00> : vector<400x128xf32>
    %dot_general3A_30 = tpu.matmul %convert_element_type3A_28, %convert_element_type3A, %dot_general3A_29 {dimension_numbers = #tpu.dot_dimension_numbers<[1], [0], [0], [1], [0, 0, 1, 1], [], []>, transpose_lhs_hint = false} : vector<400x1024xbf16>, vector<1024x128xbf16>, vector<400x128xf32> -> vector<400x128xf32>
    %get3A_31 = arith.constant 800 : index
    %get3A_32 = arith.constant 0 : index
    %get3A_33 = vector.load %arg6[%get3A_31, %get3A_32] : memref<1600x128xf32, #tpu.memory_space<vmem>>, vector<400x128xf32>
    %add3A_34 = arith.addf %dot_general3A_30, %get3A_33 : vector<400x128xf32>
    %swap3A_35 = arith.constant 800 : index
    %swap3A_36 = arith.constant 0 : index
    %swap3A_37 = vector.load %arg8[%swap3A_35, %swap3A_36] : memref<1600x128xf32, #tpu.memory_space<vmem>>, vector<400x128xf32>
    tpu.vector_store %arg8[%swap3A_35, %swap3A_36], %add3A_34 {strides = array<i32>} : memref<1600x128xf32, #tpu.memory_space<vmem>>, vector<400x128xf32>,
    %get3A_38 = arith.constant 0 : index
    %get3A_39 = arith.constant 0 : index
    %get3A_40 = vector.load %arg4[%get3A_38, %get3A_39] : memref<400x1024xf32, #tpu.memory_space<vmem>>, vector<400x1024xf32>
    %convert_element_type3A_41 = arith.truncf %get3A_40 : vector<400x1024xf32> to vector<400x1024xbf16>
    %dot_general3A_42 = arith.constant dense<0.000000e+00> : vector<400x128xf32>
    %dot_general3A_43 = tpu.matmul %convert_element_type3A_41, %convert_element_type3A, %dot_general3A_42 {dimension_numbers = #tpu.dot_dimension_numbers<[1], [0], [0], [1], [0, 0, 1, 1], [], []>, transpose_lhs_hint = false} : vector<400x1024xbf16>, vector<1024x128xbf16>, vector<400x128xf32> -> vector<400x128xf32>
    %get3A_44 = arith.constant 1200 : index
    %get3A_45 = arith.constant 0 : index
    %get3A_46 = vector.load %arg6[%get3A_44, %get3A_45] : memref<1600x128xf32, #tpu.memory_space<vmem>>, vector<400x128xf32>
    %add3A_47 = arith.addf %dot_general3A_43, %get3A_46 : vector<400x128xf32>
    %swap3A_48 = arith.constant 1200 : index
    %swap3A_49 = arith.constant 0 : index
    %swap3A_50 = vector.load %arg8[%swap3A_48, %swap3A_49] : memref<1600x128xf32, #tpu.memory_space<vmem>>, vector<400x128xf32>
    tpu.vector_store %arg8[%swap3A_48, %swap3A_49], %add3A_47 {strides = array<i32>} : memref<1600x128xf32, #tpu.memory_space<vmem>>, vector<400x128xf32>,
    return
  }
  func.func @transform_0(%arg0: i32) -> (i32, i32) {
    %add3A = arith.constant 24 : i32
    %add3A_0 = arith.addi %add3A, %arg0 : i32
    %mul3A = arith.constant 4 : i32
    %mul3A_1 = arith.muli %add3A_0, %mul3A : i32
    %add3A_2 = arith.constant 0 : i32
    %add3A_3 = arith.addi %mul3A_1, %add3A_2 : i32
    %c0_i32 = arith.constant 0 : i32
    %c0_i32_4 = arith.constant 0 : i32
    return %add3A_3, %c0_i32 : i32, i32
  }
  func.func @transform_1(%arg0: i32) -> (i32, i32) {
    %add3A = arith.constant 24 : i32
    %add3A_0 = arith.addi %add3A, %arg0 : i32
    %mul3A = arith.constant 4 : i32
    %mul3A_1 = arith.muli %add3A_0, %mul3A : i32
    %add3A_2 = arith.constant 1 : i32
    %add3A_3 = arith.addi %mul3A_1, %add3A_2 : i32
    %c0_i32 = arith.constant 0 : i32
    %c0_i32_4 = arith.constant 0 : i32
    return %add3A_3, %c0_i32 : i32, i32
  }
  func.func @transform_2(%arg0: i32) -> (i32, i32) {
    %add3A = arith.constant 24 : i32
    %add3A_0 = arith.addi %add3A, %arg0 : i32
    %mul3A = arith.constant 4 : i32
    %mul3A_1 = arith.muli %add3A_0, %mul3A : i32
    %add3A_2 = arith.constant 2 : i32
    %add3A_3 = arith.addi %mul3A_1, %add3A_2 : i32
    %c0_i32 = arith.constant 0 : i32
    %c0_i32_4 = arith.constant 0 : i32
    return %add3A_3, %c0_i32 : i32, i32
  }
  func.func @transform_3(%arg0: i32) -> (i32, i32) {
    %add3A = arith.constant 24 : i32
    %add3A_0 = arith.addi %add3A, %arg0 : i32
    %mul3A = arith.constant 4 : i32
    %mul3A_1 = arith.muli %add3A_0, %mul3A : i32
    %add3A_2 = arith.constant 3 : i32
    %add3A_3 = arith.addi %mul3A_1, %add3A_2 : i32
    %c0_i32 = arith.constant 0 : i32
    %c0_i32_4 = arith.constant 0 : i32
    return %add3A_3, %c0_i32 : i32, i32
  }
  func.func @transform_4(%arg0: i32) -> (i32, i32) {
    %c0_i32 = arith.constant 0 : i32
    %c0_i32_0 = arith.constant 0 : i32
    %c0_i32_1 = arith.constant 0 : i32
    return %c0_i32, %c0_i32_0 : i32, i32
  }
  func.func @transform_5(%arg0: i32) -> (i32, i32) {
    %c0_i32 = arith.constant 0 : i32
    %c0_i32_0 = arith.constant 0 : i32
    return %arg0, %c0_i32 : i32, i32
  }
  func.func @transform_7(%arg0: i32) -> (i32, i32) {
    %add3A = arith.constant 24 : i32
    %add3A_0 = arith.addi %add3A, %arg0 : i32
    %c0_i32 = arith.constant 0 : i32
    %c0_i32_1 = arith.constant 0 : i32
    return %add3A_0, %c0_i32 : i32, i32
  }
}

</mosaic_0001>

<sc_bundles>
// kernel: kernel.10.cloned.1.call-start
scs
__scs_entry_jumppad:
0x0: {  	(pc) =	sbr.rel $0x88, $3  }
0x1: {  	(tag) =	ssettag $0x0;
	lr =	simm.s32 $0x1  }
0x2: {  	[smem:$0x3F9D] =	sst lr;
	_ =	strace $0xD0000000  }
0x3: {  	_ = 	snop  }
0x4: {  	_ = 	snop  }
0x5: {  	_ = 	snop  }
0x6: {  	_ = 	snop  }
0x7: {  	_ = 	snop  }
__scs_overlays_trampoline_lowered:
0x8: {  	[smem:$0x3FAC] =	sst s0  }
0x9: {  	[smem:$0x3FAD] =	sst s1  }
0xa: {  	[smem:$0x3FAE] =	sst s2  }
0xb: {  	[smem:$0x3FAF] =	sst s3  }
0xc: {  	[smem:$0x3FB0] =	sst s4  }
0xd: {  	[smem:$0x3FB1] =	sst s5  }
0xe: {  	[smem:$0x3FB2] =	sst s6  }
0xf: {  	[smem:$0x3FB3] =	sst s7  }
0x10: {  	[smem:$0x3FB4] =	sst s8  }
0x11: {  	[smem:$0x3FB5] =	sst s9;
	s0 =	simm.s32 @!p0 $0x0  }
0x12: {  	s1 =	sld [smem:$0x3F9B];
	s0 =	simm.s32 @p0 $0x1  }
0x13: {  	[smem:$0x3FB6] =	sst s0;
	s0 =	simm.s32 @!p1 $0x0  }
0x14: {  	s2 =	sld [smem:$0x3F9A];
	s0 =	simm.s32 @p1 $0x1  }
0x15: {  	[smem:$0x3FB7] =	sst s0;
	s0 =	simm.s32 @!p2 $0x0  }
0x16: {  	s3 =	sld [smem:$0x3FDB];
	s0 =	simm.s32 @p2 $0x1  }
0x17: {  	s4 =	simm.s32 $0x1BF5;
	[smem:$0x3FB9] =	sst s0  }
0x18: {  	s0 =	sld [smem:$0x3F9C];
	_ =	swait.ge [sflag:s4], $0x0  }
0x19: {  	s7 =	sld [smem:$0x3F9D]  }
0x1a: {  	s8 =	sadd.s32 $0xFFFFE003, lr  }
0x1b: {  	s9 =	sadd.s32 $0xFFFFFEF7, lr;
	s5 =	simm.s32 $0xFFFFFFFF;
	p2 =	slt.u32 s8, $0xFFFFF086  }
0x1c: {  	p1 =	slt.u32 s9, $0xF7A;
	s5 =	simm.s32 @!p2 $0x0  }
0x1d: {  	s5 =	simm.s32 @p1 $0x1;
	p0 =	seq.s32 s7, s2  }
0x1e: {  	s7 =	smul.u32 @!p0 $0xF7A, s2;
	p2 =	seq.s32 @!p0 s5, $0x0  }
0x1f: {  	s9 =	smul.u32 $0xF7A, s1;
	s8 =	simm.s32 @!p0 $0x1BF5;
	p2 =	por !p2, p0  }
0x20: {  	[sflag:s8] =	ssyncset.s32 @!p0 $0xFFFFF086;
	s6 =	sadd.s32 @!p0 s3, s7;
	s7 =	simm.s32 @!p0 $0x108  }
0x21: {  	s3 =	sadd.s32 s3, s9;
	s6 =	sadd.s32 @!p0 $0x88, s6;
	s7 =	simm.s32 @p2 $0x1082  }
0x22: {  	[simem:s7], [sflag:s8] =	dma.local @!p0 [hbm:s6], $0xF7A  }
0x23: {  	s9 =	sor.u32 $0xD0000000, s2;
	s6 =	simm.s32 $0x108;
	_ =	swait.ge @!p0 [sflag:s8], $0x0  }
0x24: {  	s3 =	sadd.s32 $0x88, s3;
	s6 =	simm.s32 @!p1 $0x1082;
	[sflag:s4] =	ssyncset.s32 $0xFFFFF086  }
0x25: {  	[simem:s6], [sflag:s4] =	dma.local [hbm:s3], $0xF7A  }
0x26: {  	[smem:$0x3F9D] =	sst s1;
	(tag) =	ssettag s2;
	_ =	strace s9  }
0x27: {  	s1 =	sld [smem:$0x3FAD]  }
0x28: {  	s2 =	sld [smem:$0x3FAE]  }
0x29: {  	s4 =	sld [smem:$0x3FB0]  }
0x2a: {  	p0 =	seq.s32 s5, $0x0;
	s5 =	sld [smem:$0x3FB1]  }
0x2b: {  	s6 =	sld [smem:$0x3FB2]  }
0x2c: {  	s7 =	sld [smem:$0x3FB3]  }
0x2d: {  	s3 =	simm.s32 $0x108;
	s8 =	sld [smem:$0x3FB4]  }
0x2e: {  	s3 =	simm.s32 @!p0 $0x1082;
	s9 =	sld [smem:$0x3FB5]  }
0x2f: {  	lr =	sadd.s32 s0, s3;
	s0 =	sld [smem:$0x3FAC]  }
0x30: {  	s3 =	sld [smem:$0x3FAF]  }
0x31: {  	[smem:$0x3FB8] =	sst s10  }
0x32: {  	s10 =	sld [smem:$0x3FB6];
	_ =	sdelay $0x3  }
0x33: {  	p0 =	seq.s32 s10, $0x1;
	s10 =	sld [smem:$0x3FB8];
	_ =	sdelay $0x3  }
0x34: {  	[smem:$0x3FB8] =	sst s10  }
0x35: {  	s10 =	sld [smem:$0x3FB7];
	_ =	sdelay $0x3  }
0x36: {  	p1 =	seq.s32 s10, $0x1;
	s10 =	sld [smem:$0x3FB8];
	_ =	sdelay $0x3  }
0x37: {  	[smem:$0x3FB8] =	sst s10  }
0x38: {  	s10 =	sld [smem:$0x3FB9]  }
0x39: {  	_ = 	snop;
	(pc) =	sbr.ind lr, $3  }
0x3a: {  	_ = 	snop  }
0x3b: {  	_ = 	snop  }
0x3c: {  	p2 =	seq.s32 s10, $0x1;
	s10 =	sld [smem:$0x3FB8]  }
0x3d: {  	_ =	shalt  }
0x3e: {  	_ =	shalt  }
0x3f: {  	_ =	shalt  }
0x40: {  	_ =	shalt  }
0x41: {  	_ =	shalt  }
0x42: {  	_ =	shalt  }
0x43: {  	_ =	shalt  }
0x44: {  	_ =	shalt  }
0x45: {  	_ =	shalt  }
0x46: {  	_ =	shalt  }
0x47: {  	_ =	shalt  }
0x48: {  	_ =	shalt  }
0x49: {  	_ =	shalt  }
0x4a: {  	_ =	shalt  }
0x4b: {  	_ =	shalt  }
0x4c: {  	_ =	shalt  }
0x4d: {  	_ =	shalt  }
0x4e: {  	_ =	shalt  }
0x4f: {  	_ =	shalt  }
0x50: {  	_ =	shalt  }
0x51: {  	_ =	shalt  }
0x52: {  	_ =	shalt  }
0x53: {  	_ =	shalt  }
0x54: {  	_ =	shalt  }
0x55: {  	_ =	shalt  }
0x56: {  	_ =	shalt  }
0x57: {  	_ =	shalt  }
0x58: {  	_ =	shalt  }
0x59: {  	_ =	shalt  }
0x5a: {  	_ =	shalt  }
0x5b: {  	_ =	shalt  }
0x5c: {  	_ =	shalt  }
0x5d: {  	_ =	shalt  }
0x5e: {  	_ =	shalt  }
0x5f: {  	_ =	shalt  }
0x60: {  	_ =	shalt  }
0x61: {  	_ =	shalt  }
0x62: {  	_ =	shalt  }
0x63: {  	_ =	shalt  }
0x64: {  	_ =	shalt  }
0x65: {  	_ =	shalt  }
0x66: {  	_ =	shalt  }
0x67: {  	_ =	shalt  }
0x68: {  	_ =	shalt  }
0x69: {  	_ =	shalt  }
0x6a: {  	_ =	shalt  }
0x6b: {  	_ =	shalt  }
0x6c: {  	_ =	shalt  }
0x6d: {  	_ =	shalt  }
0x6e: {  	_ =	shalt  }
0x6f: {  	_ =	shalt  }
0x70: {  	_ =	shalt  }
0x71: {  	_ =	shalt  }
0x72: {  	_ =	shalt  }
0x73: {  	_ =	shalt  }
0x74: {  	_ =	shalt  }
0x75: {  	_ =	shalt  }
0x76: {  	_ =	shalt  }
0x77: {  	_ =	shalt  }
0x78: {  	_ =	shalt  }
0x79: {  	_ =	shalt  }
0x7a: {  	_ =	shalt  }
0x7b: {  	_ =	shalt  }
0x7c: {  	_ =	shalt  }
0x7d: {  	_ =	shalt  }
0x7e: {  	_ =	shalt  }
0x7f: {  	_ =	shalt  }
0x80: {  	_ =	shalt  }
0x81: {  	_ =	shalt  }
0x82: {  	_ =	shalt  }
0x83: {  	_ =	shalt  }
0x84: {  	_ =	shalt  }
0x85: {  	_ =	shalt  }
0x86: {  	_ =	shalt  }
0x87: {  	_ =	shalt  }
.Lfunc_end0:
.L_simem_size_0:
called_computation_lowered:
.L_overlay_start_0:
0x88: {  	s2 =	sld [smem:$0x3FD9]  }
0x89: {  	s3 =	sld [smem:$0x3FFE];
	_ =	sdelay $0x1  }
0x8a: {  	s1 =	srdreg.scid  }
0x8b: {  	s0 =	sand.u32 $0x1, s1  }
0x8c: {  	s17 =	sshll.u32 s0, $0xA;
	s2 =	sadd.s32 s3, s2  }
0x8d: {  	s2 =	sadd.s32 s2, s17  }
0x8e: {  	[smem:$0x3FC4] =	sst s2  }
0x8f: {  	_ = 	snop  }
0x90: {  	s2 =	sld [smem:$0x3FC7]  }
0x91: {  	s18 =	sld [smem:$0x3FD0];
	(tm) =	ssettm $0x1  }
0x92: {  	s4 =	sld [smem:$0x3FFB];
	_ =	sdelay $0x3  }
0x93: {  	_ =	strace s4  }
0x94: {  	s4 =	sld [smem:$0x3FFC];
	_ =	sdelay $0x3  }
0x95: {  	_ =	strace s4  }
0x96: {  	s4 =	sld [smem:$0x3FFD];
	_ =	sdelay $0x3  }
0x97: {  	_ =	strace s4  }
0x98: {  	_ =	strace $0x8FFFFFFF  }
0x99: {  	s19 =	sld [smem:$0x3FDB];
	_ =	sdelay $0x1  }
0x9a: {  	s5 =	simm.s32 $_scs_section_size  }
0x9b: {  	s6 =	simm.s32 $_size__tile_overlayer_lowered;
	s7 =	simm.s32 $_tile_overlayer_lowered  }
0x9c: {  	s22 =	simm.s32 $0x1BFF;
	s21 =	sshll.u32 s7, $0x1;
	s4 =	sadd.s32 s5, s19  }
0x9d: {  	s8 =	simm.s32 $0x0;
	s20 =	sshll.u32 s6, $0x1;
	s6 =	sadd.s32 s21, s4  }
0x9e: {  	[timem:s8], [sflag:s22] =	dma.local [hbm:s6], s20  }
0x9f: {  	_ =	swait.ge [sflag:s22], s20  }
0xa0: {  	s5 =	ssub.s32 $0x0, s20;
	[sflag:s22] =	ssyncset.done $0x0  }
0xa1: {  	[sflag:s22] =	ssyncadd.s32 s5;
	_ =	sdelay $0x1  }
0xa2: {  	s23 =	simm.s32 $0x1B8B  }
0xa3: {  	_ =	swait.ge [sflag:s23], $0x1  }
0xa4: {  	[sflag:s23] =	ssyncset.done $0x0  }
0xa5: {  	s25 =	simm.s32 $0x1B8E;
	s24 =	sld [smem:$0x3FFE];
	[sflag:s23] =	ssyncadd.s32 $0xFFFFFFFF  }
0xa6: {  	s26 =	simm.s32 $execute0_lowered;
	[smem:$0x3FD2] =	sst s25  }
0xa7: {  	s6 =	sshll.u32 s26, $0x1;
	_ =	strace $0x80000046;
	[dreg:$0x1] =	wrdreg $0xFFFFFFFF  }
0xa8: {  	s28 =	simm.s32 $_size_execute0_lowered;
	s4 =	sadd.s32 s4, s6;
	[dreg:$0x0] =	wrdreg $0x0  }
0xa9: {  	s6 =	sshll.u32 s28, $0x1;
	[dreg:$0x2] =	wrdreg s4  }
0xaa: {  	[dreg:$0x3] =	wrdreg s6  }
0xab: {  	[dreg:$0x4] =	wrdreg $0xC0  }
0xac: {  	_ =	task [dreg:s8], $0x5FFFF  }
0xad: {  	[dreg:$0x1] =	wrdreg $0xFFFFFFFF  }
0xae: {  	[dreg:$0x0] =	wrdreg $0x60  }
0xaf: {  	[dreg:$0x2] =	wrdreg s2  }
0xb0: {  	[dreg:$0x3] =	wrdreg s24  }
0xb1: {  	[dreg:$0x4] =	wrdreg s18  }
0xb2: {  	[dreg:$0x5] =	wrdreg $0x9  }
0xb3: {  	_ =	task.clear_ibuf [dreg:s8], $0x6FFFF;
	_ =	strace $0x90000046  }
0xb4: {  	s29 =	simm.s32 $0x9;
	_ =	strace $0x80000048  }
0xb5: {  	_ =	swait.ge [sflag:s29], $0x1  }
0xb6: {  	[sflag:s29] =	ssyncadd.s32 $0xFFFFFFFF  }
0xb7: {  	_ =	strace $0x90000048  }
0xb8: {  	_ =	sfence  }
0xb9: {  	s30 =	sld [smem:$0x0];
	_ =	sdelay $0x2  }
0xba: {  	s31 =	sshll.u32 s1, $0xD;
	s1 =	sshrl.u32 s1, $0x2  }
0xbb: {  	s3 =	sand.u32 $0x4000, s31;
	s1 =	sadd.s32 s1, s30  }
0xbc: {  	s0 =	sor.u32 s3, s0;
	s1 =	sshll.u32 s1, $0x11  }
0xbd: {  	s0 =	sor.u32 s1, s0  }
0xbe: {  	s0 =	sadd.s32 $0x8F2B, s0  }
0xbf: {  	[sflag:s0] =	ssyncadd.remote.s32 $0x1  }
0xc0: {  	_ =	sfence.sel $0xFFFF  }
0xc1: {  	[dreg:$0x0] =	wrdreg $0xFFFFFFFF;
	(pc) =	sbr.abs _section_cstart, $3  }
0xc2: {  	[dreg:$0x1] =	wrdreg $0xFFFFFFFF  }
0xc3: {  	_ =	task.clear_ibuf [dreg:s8], $0x2FFFF;
	_ =	strace $0x9FFFFFFF  }
0xc4: {  	(tm) =	ssettm $0x7FFFFFFF  }
0xc5: {  	_ =	shalt  }
tec
execute0_lowered:
.L_overlay_start_1:
0x0: {  	(tag) =	ssettag $0x1  }
0x1: {  	s1 =	srdreg.scid;
	s0 =	stileid.u32  }
0x2: {  	s2 =	rddreg [dreg:$0x0];
	s15 =	sand.u32 $0x1, s1;
	s31 =	sshll.u32 s0, $0x1  }
0x3: {  	s4 =	rddreg [dreg:$0x1];
	s9 =	sor.u32 s15, s31  }
0x4: {  	s10 =	rddreg [dreg:$0x2];
	s5 =	smul.u32 $0x32, s9  }
0x5: {  	s3 =	simm.s32 $0x0;
	s1 =	rddreg [dreg:$0x3]  }
0x6: {  	[smem:$0x7FF] =	sst s3;
	s4 =	sadd.s32 s5, s4  }
0x7: {  	_ =	strace $0x80000047;
	s5 =	sadd.s32 $0x1C00, s4;
	s4 =	simm.s32 $0x2  }
0x8: {  	[tilespmem:s3], [sflag:$0x2] =	stream.linear.gather [hbm4b:s5+s3], $0x190, $0x38;
	[tilespmem:$0x2A00] =	vst v63  }
0x9: {  	_ =	swait.ge [sflag:s4], $0x190  }
0xa: {  	s6 =	simm.s32 $0x50;
	[sflag:s4] =	ssyncset.done $0x0  }
0xb: {  	s7 =	simm.s32 $0x200;
	s8 =	simm.s32 $0x1;
	[sflag:s4] =	ssyncadd.s32 $0xFFFFFE70  }
0xc: {  	[tilespmem:s7], [sflag:$0x1] =	stream.indirect.gather [hbm4b:s2+s6], $0x80, s3, s6, $0xb8;
	[tilespmem:$0x2A00] =	vst v63  }
0xd: {  	s9 =	smul.u32 $0x1900, s9;
	_ =	swait.ge [sflag:s8], $0x2800  }
0xe: {  	[sflag:s8] =	ssyncset.done $0x0  }
0xf: {  	s9 =	sadd.s32 s10, s9;
	[sflag:s8] =	ssyncadd.s32 $0xFFFFD800  }
0x10: {  	[hbm4b:s9+s3] =	stream.linear.scatter [tilespmem:s7], [sflag:$0x2], $0x2800, $0x38;
	[tilespmem:$0x2A00] =	vst v63  }
0x11: {  	_ =	swait.ge [sflag:s4], $0x2800  }
0x12: {  	[sflag:s4] =	ssyncset.done $0x0  }
0x13: {  	[sflag:s4] =	ssyncadd.s32 $0xFFFFD800  }
0x14: {  	[tilespmem:s7], [sflag:$0x1] =	stream.indirect.gather [hbm4b:s2+s6], $0x80, s6, s6, $0xb8;
	[tilespmem:$0x2A00] =	vst v63  }
0x15: {  	_ =	swait.ge [sflag:s8], $0x2800  }
0x16: {  	[sflag:s8] =	ssyncset.done $0x0  }
0x17: {  	s10 =	sadd.s32 $0x500, s9;
	[sflag:s8] =	ssyncadd.s32 $0xFFFFD800  }
0x18: {  	[hbm4b:s10+s3] =	stream.linear.scatter [tilespmem:s7], [sflag:$0x2], $0x2800, $0x38;
	[tilespmem:$0x2A00] =	vst v63  }
0x19: {  	_ =	swait.ge [sflag:s4], $0x2800  }
0x1a: {  	[sflag:s4] =	ssyncset.done $0x0  }
0x1b: {  	s11 =	simm.s32 $0xA0;
	[sflag:s4] =	ssyncadd.s32 $0xFFFFD800  }
0x1c: {  	[tilespmem:s7], [sflag:$0x1] =	stream.indirect.gather [hbm4b:s2+s6], $0x80, s11, s6, $0xb8;
	[tilespmem:$0x2A00] =	vst v63  }
0x1d: {  	_ =	swait.ge [sflag:s8], $0x2800  }
0x1e: {  	[sflag:s8] =	ssyncset.done $0x0  }
0x1f: {  	s12 =	sadd.s32 $0xA00, s9;
	[sflag:s8] =	ssyncadd.s32 $0xFFFFD800  }
0x20: {  	[hbm4b:s12+s3] =	stream.linear.scatter [tilespmem:s7], [sflag:$0x2], $0x2800, $0x38;
	[tilespmem:$0x2A00] =	vst v63  }
0x21: {  	_ =	swait.ge [sflag:s4], $0x2800  }
0x22: {  	[sflag:s4] =	ssyncset.done $0x0  }
0x23: {  	s13 =	simm.s32 $0xF0;
	[sflag:s4] =	ssyncadd.s32 $0xFFFFD800  }
0x24: {  	[tilespmem:s7], [sflag:$0x1] =	stream.indirect.gather [hbm4b:s2+s6], $0x80, s13, s6, $0xb8;
	[tilespmem:$0x2A00] =	vst v63  }
0x25: {  	_ =	swait.ge [sflag:s8], $0x2800  }
0x26: {  	[sflag:s8] =	ssyncset.done $0x0  }
0x27: {  	s16 =	ssub.s32 $0x2, s15;
	s14 =	sadd.s32 $0xF00, s9;
	[sflag:s8] =	ssyncadd.s32 $0xFFFFD800  }
0x28: {  	[hbm4b:s14+s3] =	stream.linear.scatter [tilespmem:s7], [sflag:$0x2], $0x2800, $0x38;
	[tilespmem:$0x2A00] =	vst v63  }
0x29: {  	s17 =	sshrl.u32 s16, $0x1;
	_ =	swait.ge [sflag:s4], $0x2800  }
0x2a: {  	s16 =	ssub.s32 s16, s17;
	[sflag:s4] =	ssyncset.done $0x0  }
0x2b: {  	s15 =	simm.s32 $0x140;
	s17 =	smax.u32 s16, $0x1;
	[sflag:s4] =	ssyncadd.s32 $0xFFFFD800  }
0x2c: {  	[tilespmem:s7], [sflag:$0x1] =	stream.indirect.gather [hbm4b:s2+s6], $0x80, s15, s6, $0xb8;
	[tilespmem:$0x2A00] =	vst v63  }
0x2d: {  	p0 =	sne.s32 s17, $0x1;
	_ =	swait.ge [sflag:s8], $0x2800  }
.Ltmp0:
0x2e: {  	[sflag:s8] =	ssyncset.done $0x0;
	(pc) =	sbr.rel @!p0 .LBB2_2-.Ltmp0, $4  }
0x2f: {  	s16 =	sadd.s32 $0x1400, s9;
	[sflag:s8] =	ssyncadd.s32 $0xFFFFD800  }
0x30: {  	[hbm4b:s16+s3] =	stream.linear.scatter [tilespmem:s7], [sflag:$0x2], $0x2800, $0x38;
	[tilespmem:$0x2A00] =	vst v63  }
0x31: {  	_ =	swait.ge [sflag:s4], $0x2800  }
0x32: {  	s17 =	sadd.s32 $0xFFFFFFFF, s17;
	[sflag:s4] =	ssyncset.done $0x0  }
.LBB2_1:
0x33: {  	p0 =	sne.s32 s17, $0x1;
	s17 =	sadd.s32 $0xFFFFFFFF, s17;
	[sflag:s4] =	ssyncadd.s32 $0xFFFFD800  }
0x34: {  	[tilespmem:s3], [sflag:$0x2] =	stream.linear.gather [hbm4b:s5+s3], $0x190, $0x38;
	[tilespmem:$0x2A00] =	vst v63  }
0x35: {  	_ =	swait.ge [sflag:s4], $0x190  }
0x36: {  	[sflag:s4] =	ssyncset.done $0x0  }
0x37: {  	[sflag:s4] =	ssyncadd.s32 $0xFFFFFE70  }
0x38: {  	[tilespmem:s7], [sflag:$0x1] =	stream.indirect.gather [hbm4b:s2+s6], $0x80, s3, s6, $0xb8;
	[tilespmem:$0x2A00] =	vst v63  }
0x39: {  	_ =	swait.ge [sflag:s8], $0x2800  }
0x3a: {  	[sflag:s8] =	ssyncset.done $0x0  }
0x3b: {  	[sflag:s8] =	ssyncadd.s32 $0xFFFFD800  }
0x3c: {  	[hbm4b:s9+s3] =	stream.linear.scatter [tilespmem:s7], [sflag:$0x2], $0x2800, $0x38;
	[tilespmem:$0x2A00] =	vst v63  }
0x3d: {  	_ =	swait.ge [sflag:s4], $0x2800  }
0x3e: {  	[sflag:s4] =	ssyncset.done $0x0  }
0x3f: {  	[sflag:s4] =	ssyncadd.s32 $0xFFFFD800  }
0x40: {  	[tilespmem:s7], [sflag:$0x1] =	stream.indirect.gather [hbm4b:s2+s6], $0x80, s6, s6, $0xb8;
	[tilespmem:$0x2A00] =	vst v63  }
0x41: {  	_ =	swait.ge [sflag:s8], $0x2800  }
0x42: {  	[sflag:s8] =	ssyncset.done $0x0  }
0x43: {  	[sflag:s8] =	ssyncadd.s32 $0xFFFFD800  }
0x44: {  	[hbm4b:s10+s3] =	stream.linear.scatter [tilespmem:s7], [sflag:$0x2], $0x2800, $0x38;
	[tilespmem:$0x2A00] =	vst v63  }
0x45: {  	_ =	swait.ge [sflag:s4], $0x2800  }
0x46: {  	[sflag:s4] =	ssyncset.done $0x0  }
0x47: {  	[sflag:s4] =	ssyncadd.s32 $0xFFFFD800  }
0x48: {  	[tilespmem:s7], [sflag:$0x1] =	stream.indirect.gather [hbm4b:s2+s6], $0x80, s11, s6, $0xb8;
	[tilespmem:$0x2A00] =	vst v63  }
0x49: {  	_ =	swait.ge [sflag:s8], $0x2800  }
0x4a: {  	[sflag:s8] =	ssyncset.done $0x0  }
0x4b: {  	[sflag:s8] =	ssyncadd.s32 $0xFFFFD800  }
0x4c: {  	[hbm4b:s12+s3] =	stream.linear.scatter [tilespmem:s7], [sflag:$0x2], $0x2800, $0x38;
	[tilespmem:$0x2A00] =	vst v63  }
0x4d: {  	_ =	swait.ge [sflag:s4], $0x2800  }
0x4e: {  	[sflag:s4] =	ssyncset.done $0x0  }
0x4f: {  	[sflag:s4] =	ssyncadd.s32 $0xFFFFD800  }
0x50: {  	[tilespmem:s7], [sflag:$0x1] =	stream.indirect.gather [hbm4b:s2+s6], $0x80, s13, s6, $0xb8;
	[tilespmem:$0x2A00] =	vst v63  }
0x51: {  	_ =	swait.ge [sflag:s8], $0x2800  }
0x52: {  	[sflag:s8] =	ssyncset.done $0x0  }
0x53: {  	[sflag:s8] =	ssyncadd.s32 $0xFFFFD800  }
0x54: {  	[hbm4b:s14+s3] =	stream.linear.scatter [tilespmem:s7], [sflag:$0x2], $0x2800, $0x38;
	[tilespmem:$0x2A00] =	vst v63  }
0x55: {  	_ =	swait.ge [sflag:s4], $0x2800  }
0x56: {  	[sflag:s4] =	ssyncset.done $0x0  }
0x57: {  	[sflag:s4] =	ssyncadd.s32 $0xFFFFD800  }
0x58: {  	[tilespmem:s7], [sflag:$0x1] =	stream.indirect.gather [hbm4b:s2+s6], $0x80, s15, s6, $0xb8;
	[tilespmem:$0x2A00] =	vst v63  }
0x59: {  	_ =	swait.ge [sflag:s8], $0x2800  }
.Ltmp1:
0x5a: {  	[sflag:s8] =	ssyncset.done $0x0;
	(pc) =	sbr.rel @p0 .LBB2_1-.Ltmp1, $4  }
0x5b: {  	[sflag:s8] =	ssyncadd.s32 $0xFFFFD800  }
0x5c: {  	[hbm4b:s16+s3] =	stream.linear.scatter [tilespmem:s7], [sflag:$0x2], $0x2800, $0x38;
	[tilespmem:$0x2A00] =	vst v63  }
0x5d: {  	_ =	swait.ge [sflag:s4], $0x2800  }
0x5e: {  	[sflag:s4] =	ssyncset.done $0x0  }
.LBB2_2:
0x5f: {  	[sflag:s4] =	ssyncadd.s32 $0xFFFFD800  }
0x60: {  	_ =	sfence.sel $0x180000  }
0x61: {  	[bflag:$0x0] =	sbarrier.arrive $0xFFFF  }
0x62: {  	p0 =	sne.s32 s0, $0x0;
	_ =	strace $0x90000047  }
0x63: {  	s0 =	sadd.s32 @!p0 $0x100000, s1;
	[bflag:$0x2] =	sbarrier.arrive $0xFFFF  }
0x64: {  	[sflag:s0] =	ssyncadd.tile.s32 @!p0 $0x1;
	_ =	shalt  }
.Lfunc_end2:
_tile_overlayer_lowered:
.L_overlay_start_2:
0x65: {  	(tag) =	ssettag $0x2  }
0x66: {  	s0 =	rddreg [dreg:$0x0];
	s2 =	stileid.u32  }
0x67: {  	s1 =	rddreg [dreg:$0x1];
	p0 =	sne.s32 s2, $0x0  }
0x68: {  	s3 =	rddreg [dreg:$0x2];
	[bflag:$0x3] =	sbarrier.arrive $0xFFFF;
	s2 =	simm.s32 @!p0 $0x1C02  }
0x69: {  	[timem:s3], [sflag:s2] =	dma.local @!p0 [hbm:s0], s1  }
0x6a: {  	s0 =	simm.s32 @!p0 $0x2  }
0x6b: {  	_ =	swait.ge @!p0 [sflag:s0], s1  }
0x6c: {  	s1 =	ssub.s32 @!p0 $0x0, s1;
	[sflag:s0] =	ssyncset.done @!p0 $0x0  }
0x6d: {  	[sflag:s0] =	ssyncadd.s32 @!p0 s1  }
0x6e: {  	[bflag:$0x3] =	sbarrier.arrive $0xFFFF  }
0x6f: {  	_ =	shalt  }

// kernel: kernel.13.cloned.1.call-start
scs
__scs_entry_jumppad:
0x0: {  	(pc) =	sbr.rel $0x88, $3  }
0x1: {  	(tag) =	ssettag $0x0;
	lr =	simm.s32 $0x1  }
0x2: {  	[smem:$0x3F9D] =	sst lr;
	_ =	strace $0xD0000000  }
0x3: {  	_ = 	snop  }
0x4: {  	_ = 	snop  }
0x5: {  	_ = 	snop  }
0x6: {  	_ = 	snop  }
0x7: {  	_ = 	snop  }
__scs_overlays_trampoline_lowered:
0x8: {  	[smem:$0x3FAC] =	sst s0  }
0x9: {  	[smem:$0x3FAD] =	sst s1  }
0xa: {  	[smem:$0x3FAE] =	sst s2  }
0xb: {  	[smem:$0x3FAF] =	sst s3  }
0xc: {  	[smem:$0x3FB0] =	sst s4  }
0xd: {  	[smem:$0x3FB1] =	sst s5  }
0xe: {  	[smem:$0x3FB2] =	sst s6  }
0xf: {  	[smem:$0x3FB3] =	sst s7  }
0x10: {  	[smem:$0x3FB4] =	sst s8  }
0x11: {  	[smem:$0x3FB5] =	sst s9;
	s0 =	simm.s32 @!p0 $0x0  }
0x12: {  	s1 =	sld [smem:$0x3F9B];
	s0 =	simm.s32 @p0 $0x1  }
0x13: {  	[smem:$0x3FB6] =	sst s0;
	s0 =	simm.s32 @!p1 $0x0  }
0x14: {  	s2 =	sld [smem:$0x3F9A];
	s0 =	simm.s32 @p1 $0x1  }
0x15: {  	[smem:$0x3FB7] =	sst s0;
	s0 =	simm.s32 @!p2 $0x0  }
0x16: {  	s3 =	sld [smem:$0x3FDB];
	s0 =	simm.s32 @p2 $0x1  }
0x17: {  	s4 =	simm.s32 $0x1BF5;
	[smem:$0x3FB9] =	sst s0  }
0x18: {  	s0 =	sld [smem:$0x3F9C];
	_ =	swait.ge [sflag:s4], $0x0  }
0x19: {  	s7 =	sld [smem:$0x3F9D]  }
0x1a: {  	s8 =	sadd.s32 $0xFFFFE003, lr  }
0x1b: {  	s9 =	sadd.s32 $0xFFFFFEF7, lr;
	s5 =	simm.s32 $0xFFFFFFFF;
	p2 =	slt.u32 s8, $0xFFFFF086  }
0x1c: {  	p1 =	slt.u32 s9, $0xF7A;
	s5 =	simm.s32 @!p2 $0x0  }
0x1d: {  	s5 =	simm.s32 @p1 $0x1;
	p0 =	seq.s32 s7, s2  }
0x1e: {  	s7 =	smul.u32 @!p0 $0xF7A, s2;
	p2 =	seq.s32 @!p0 s5, $0x0  }
0x1f: {  	s9 =	smul.u32 $0xF7A, s1;
	s8 =	simm.s32 @!p0 $0x1BF5;
	p2 =	por !p2, p0  }
0x20: {  	[sflag:s8] =	ssyncset.s32 @!p0 $0xFFFFF086;
	s6 =	sadd.s32 @!p0 s3, s7;
	s7 =	simm.s32 @!p0 $0x108  }
0x21: {  	s3 =	sadd.s32 s3, s9;
	s6 =	sadd.s32 @!p0 $0x88, s6;
	s7 =	simm.s32 @p2 $0x1082  }
0x22: {  	[simem:s7], [sflag:s8] =	dma.local @!p0 [hbm:s6], $0xF7A  }
0x23: {  	s9 =	sor.u32 $0xD0000000, s2;
	s6 =	simm.s32 $0x108;
	_ =	swait.ge @!p0 [sflag:s8], $0x0  }
0x24: {  	s3 =	sadd.s32 $0x88, s3;
	s6 =	simm.s32 @!p1 $0x1082;
	[sflag:s4] =	ssyncset.s32 $0xFFFFF086  }
0x25: {  	[simem:s6], [sflag:s4] =	dma.local [hbm:s3], $0xF7A  }
0x26: {  	[smem:$0x3F9D] =	sst s1;
	(tag) =	ssettag s2;
	_ =	strace s9  }
0x27: {  	s1 =	sld [smem:$0x3FAD]  }
0x28: {  	s2 =	sld [smem:$0x3FAE]  }
0x29: {  	s4 =	sld [smem:$0x3FB0]  }
0x2a: {  	p0 =	seq.s32 s5, $0x0;
	s5 =	sld [smem:$0x3FB1]  }
0x2b: {  	s6 =	sld [smem:$0x3FB2]  }
0x2c: {  	s7 =	sld [smem:$0x3FB3]  }
0x2d: {  	s3 =	simm.s32 $0x108;
	s8 =	sld [smem:$0x3FB4]  }
0x2e: {  	s3 =	simm.s32 @!p0 $0x1082;
	s9 =	sld [smem:$0x3FB5]  }
0x2f: {  	lr =	sadd.s32 s0, s3;
	s0 =	sld [smem:$0x3FAC]  }
0x30: {  	s3 =	sld [smem:$0x3FAF]  }
0x31: {  	[smem:$0x3FB8] =	sst s10  }
0x32: {  	s10 =	sld [smem:$0x3FB6];
	_ =	sdelay $0x3  }
0x33: {  	p0 =	seq.s32 s10, $0x1;
	s10 =	sld [smem:$0x3FB8];
	_ =	sdelay $0x3  }
0x34: {  	[smem:$0x3FB8] =	sst s10  }
0x35: {  	s10 =	sld [smem:$0x3FB7];
	_ =	sdelay $0x3  }
0x36: {  	p1 =	seq.s32 s10, $0x1;
	s10 =	sld [smem:$0x3FB8];
	_ =	sdelay $0x3  }
0x37: {  	[smem:$0x3FB8] =	sst s10  }
0x38: {  	s10 =	sld [smem:$0x3FB9]  }
0x39: {  	_ = 	snop;
	(pc) =	sbr.ind lr, $3  }
0x3a: {  	_ = 	snop  }
0x3b: {  	_ = 	snop  }
0x3c: {  	p2 =	seq.s32 s10, $0x1;
	s10 =	sld [smem:$0x3FB8]  }
0x3d: {  	_ =	shalt  }
0x3e: {  	_ =	shalt  }
0x3f: {  	_ =	shalt  }
0x40: {  	_ =	shalt  }
0x41: {  	_ =	shalt  }
0x42: {  	_ =	shalt  }
0x43: {  	_ =	shalt  }
0x44: {  	_ =	shalt  }
0x45: {  	_ =	shalt  }
0x46: {  	_ =	shalt  }
0x47: {  	_ =	shalt  }
0x48: {  	_ =	shalt  }
0x49: {  	_ =	shalt  }
0x4a: {  	_ =	shalt  }
0x4b: {  	_ =	shalt  }
0x4c: {  	_ =	shalt  }
0x4d: {  	_ =	shalt  }
0x4e: {  	_ =	shalt  }
0x4f: {  	_ =	shalt  }
0x50: {  	_ =	shalt  }
0x51: {  	_ =	shalt  }
0x52: {  	_ =	shalt  }
0x53: {  	_ =	shalt  }
0x54: {  	_ =	shalt  }
0x55: {  	_ =	shalt  }
0x56: {  	_ =	shalt  }
0x57: {  	_ =	shalt  }
0x58: {  	_ =	shalt  }
0x59: {  	_ =	shalt  }
0x5a: {  	_ =	shalt  }
0x5b: {  	_ =	shalt  }
0x5c: {  	_ =	shalt  }
0x5d: {  	_ =	shalt  }
0x5e: {  	_ =	shalt  }
0x5f: {  	_ =	shalt  }
0x60: {  	_ =	shalt  }
0x61: {  	_ =	shalt  }
0x62: {  	_ =	shalt  }
0x63: {  	_ =	shalt  }
0x64: {  	_ =	shalt  }
0x65: {  	_ =	shalt  }
0x66: {  	_ =	shalt  }
0x67: {  	_ =	shalt  }
0x68: {  	_ =	shalt  }
0x69: {  	_ =	shalt  }
0x6a: {  	_ =	shalt  }
0x6b: {  	_ =	shalt  }
0x6c: {  	_ =	shalt  }
0x6d: {  	_ =	shalt  }
0x6e: {  	_ =	shalt  }
0x6f: {  	_ =	shalt  }
0x70: {  	_ =	shalt  }
0x71: {  	_ =	shalt  }
0x72: {  	_ =	shalt  }
0x73: {  	_ =	shalt  }
0x74: {  	_ =	shalt  }
0x75: {  	_ =	shalt  }
0x76: {  	_ =	shalt  }
0x77: {  	_ =	shalt  }
0x78: {  	_ =	shalt  }
0x79: {  	_ =	shalt  }
0x7a: {  	_ =	shalt  }
0x7b: {  	_ =	shalt  }
0x7c: {  	_ =	shalt  }
0x7d: {  	_ =	shalt  }
0x7e: {  	_ =	shalt  }
0x7f: {  	_ =	shalt  }
0x80: {  	_ =	shalt  }
0x81: {  	_ =	shalt  }
0x82: {  	_ =	shalt  }
0x83: {  	_ =	shalt  }
0x84: {  	_ =	shalt  }
0x85: {  	_ =	shalt  }
0x86: {  	_ =	shalt  }
0x87: {  	_ =	shalt  }
.Lfunc_end0:
.L_simem_size_0:
called_computation.1_lowered:
.L_overlay_start_0:
0x88: {  	s2 =	sld [smem:$0x3FD9]  }
0x89: {  	s3 =	sld [smem:$0x3FFE];
	_ =	sdelay $0x1  }
0x8a: {  	s1 =	srdreg.scid  }
0x8b: {  	s0 =	sand.u32 $0x1, s1  }
0x8c: {  	s17 =	sshll.u32 s0, $0xA;
	s2 =	sadd.s32 s3, s2  }
0x8d: {  	s2 =	sadd.s32 s2, s17  }
0x8e: {  	[smem:$0x3FC4] =	sst s2  }
0x8f: {  	_ = 	snop  }
0x90: {  	s18 =	sld [smem:$0x3FC7];
	(tm) =	ssettm $0x1  }
0x91: {  	s19 =	sld [smem:$0x3FFB];
	_ =	sdelay $0x3  }
0x92: {  	_ =	strace s19  }
0x93: {  	s2 =	sld [smem:$0x3FFC];
	_ =	sdelay $0x3  }
0x94: {  	_ =	strace s2  }
0x95: {  	s2 =	sld [smem:$0x3FFD];
	_ =	sdelay $0x3  }
0x96: {  	_ =	strace s2  }
0x97: {  	_ =	strace $0x8FFFFFFF  }
0x98: {  	s20 =	sld [smem:$0x3FDB];
	_ =	sdelay $0x1  }
0x99: {  	s4 =	simm.s32 $_scs_section_size  }
0x9a: {  	s5 =	simm.s32 $_size__tile_overlayer_lowered;
	s6 =	simm.s32 $_tile_overlayer_lowered  }
0x9b: {  	s7 =	simm.s32 $0x1BFF;
	s21 =	sshll.u32 s6, $0x1;
	s4 =	sadd.s32 s4, s20  }
0x9c: {  	s22 =	simm.s32 $0x0;
	s5 =	sshll.u32 s5, $0x1;
	s6 =	sadd.s32 s21, s4  }
0x9d: {  	[timem:s22], [sflag:s7] =	dma.local [hbm:s6], s5  }
0x9e: {  	_ =	swait.ge [sflag:s7], s5  }
0x9f: {  	s5 =	ssub.s32 $0x0, s5;
	[sflag:s7] =	ssyncset.done $0x0  }
0xa0: {  	[sflag:s7] =	ssyncadd.s32 s5;
	_ =	sdelay $0x1  }
0xa1: {  	s23 =	simm.s32 $0x1B8B  }
0xa2: {  	_ =	swait.ge [sflag:s23], $0x1  }
0xa3: {  	[sflag:s23] =	ssyncset.done $0x0  }
0xa4: {  	[sflag:s23] =	ssyncadd.s32 $0xFFFFFFFF  }
0xa5: {  	s5 =	sld [smem:$0x0]  }
0xa6: {  	s6 =	sand.u32 $0xFFFFFFFE, s1  }
0xa7: {  	p0 =	sne.s32 s1, s6  }
0xa8: {  	s6 =	sshll.u32 @p0 s6, $0xE  }
0xa9: {  	s6 =	sadd.s32 @p0 $0x11B8D, s6;
	s7 =	sshll.u32 @p0 s5, $0x11  }
0xaa: {  	s6 =	sor.u32 @p0 s7, s6  }
0xab: {  	[sflag:s6] =	ssyncadd.remote.s32 @p0 $0x1;
	_ =	sdelay $0x1  }
0xac: {  	s6 =	simm.s32 @p0 $0x1B8D  }
0xad: {  	_ =	swait.eq @p0 [sflag:s6], $0x1  }
0xae: {  	[sflag:s6] =	ssyncadd.s32 @p0 $0xFFFFFFFF  }
0xaf: {  	s7 =	sshll.u32 @!p0 s1, $0xE  }
0xb0: {  	s7 =	sor.u32 @!p0 $0x4000, s7;
	s6 =	simm.s32 @!p0 $0x1B8D  }
0xb1: {  	s5 =	sshll.u32 @!p0 s5, $0x11;
	s7 =	sadd.s32 @!p0 $0x11B8D, s7;
	_ =	swait.eq @!p0 [sflag:s6], $0x1  }
0xb2: {  	s5 =	sor.u32 @!p0 s5, s7;
	[sflag:s6] =	ssyncadd.s32 @!p0 $0xFFFFFFFF  }
0xb3: {  	s25 =	simm.s32 $0x1B8E;
	s24 =	sld [smem:$0x3FFE];
	[sflag:s5] =	ssyncadd.remote.s32 @!p0 $0x1  }
0xb4: {  	s26 =	simm.s32 $execute0_lowered;
	[smem:$0x3FD2] =	sst s25  }
0xb5: {  	s6 =	sshll.u32 s26, $0x1;
	_ =	strace $0x80000049;
	[dreg:$0x1] =	wrdreg $0xFFFFFFFF  }
0xb6: {  	s28 =	simm.s32 $_size_execute0_lowered;
	s4 =	sadd.s32 s4, s6;
	[dreg:$0x0] =	wrdreg $0x0  }
0xb7: {  	s6 =	sshll.u32 s28, $0x1;
	[dreg:$0x2] =	wrdreg s4  }
0xb8: {  	[dreg:$0x3] =	wrdreg s6  }
0xb9: {  	[dreg:$0x4] =	wrdreg $0xC0  }
0xba: {  	_ =	task [dreg:s22], $0x5FFFF  }
0xbb: {  	[dreg:$0x1] =	wrdreg $0xFFFFFFFF  }
0xbc: {  	[dreg:$0x0] =	wrdreg $0x60  }
0xbd: {  	[dreg:$0x2] =	wrdreg s18  }
0xbe: {  	[dreg:$0x3] =	wrdreg s24  }
0xbf: {  	[dreg:$0x4] =	wrdreg $0xA  }
0xc0: {  	_ =	task.clear_ibuf [dreg:s22], $0x5FFFF;
	_ =	strace $0x90000049  }
0xc1: {  	s29 =	simm.s32 $0xA;
	_ =	strace $0x8000004B  }
0xc2: {  	_ =	swait.ge [sflag:s29], $0x1  }
0xc3: {  	[sflag:s29] =	ssyncadd.s32 $0xFFFFFFFF  }
0xc4: {  	_ =	strace $0x9000004B  }
0xc5: {  	_ =	sfence  }
0xc6: {  	s30 =	sld [smem:$0x0];
	_ =	sdelay $0x2  }
0xc7: {  	s31 =	sshll.u32 s1, $0xD;
	s1 =	sshrl.u32 s1, $0x2  }
0xc8: {  	s4 =	sand.u32 $0x4000, s31;
	s1 =	sadd.s32 s1, s30  }
0xc9: {  	s0 =	sor.u32 s4, s0;
	s1 =	sshll.u32 s1, $0x11  }
0xca: {  	s0 =	sor.u32 s1, s0  }
0xcb: {  	s0 =	sadd.s32 $0x8F2B, s0  }
0xcc: {  	[sflag:s0] =	ssyncadd.remote.s32 $0x1  }
0xcd: {  	_ =	sfence.sel $0xFFFF  }
0xce: {  	[dreg:$0x0] =	wrdreg $0xFFFFFFFF;
	(pc) =	sbr.abs _section_cstart, $3  }
0xcf: {  	[dreg:$0x1] =	wrdreg $0xFFFFFFFF  }
0xd0: {  	_ =	task.clear_ibuf [dreg:s22], $0x2FFFF;
	_ =	strace $0x9FFFFFFF  }
0xd1: {  	(tm) =	ssettm $0x7FFFFFFF  }
tec
execute0_lowered:
.L_overlay_start_1:
0x0: {  	(tag) =	ssettag $0x1  }
0x1: {  	s1 =	srdreg.scid;
	s0 =	stileid.u32  }
0x2: {  	s15 =	sand.u32 $0x1, s1;
	s31 =	sshll.u32 s0, $0x1  }
0x3: {  	s2 =	rddreg [dreg:$0x0];
	s6 =	sor.u32 s15, s31  }
0x4: {  	s9 =	rddreg [dreg:$0x1];
	s4 =	smul.u32 $0x32, s6  }
0x5: {  	s3 =	simm.s32 $0x0;
	s1 =	rddreg [dreg:$0x2]  }
0x6: {  	[smem:$0x7FF] =	sst s3;
	s4 =	sadd.s32 s4, s9  }
0x7: {  	_ =	strace $0x8000004A;
	s5 =	sadd.s32 $0x2400, s4;
	s4 =	simm.s32 $0x2  }
0x8: {  	[tilespmem:s3], [sflag:$0x2] =	stream.linear.gather [hbm4b:s5+s3], $0x190, $0x38;
	[tilespmem:$0x2A00] =	vst v63  }
0x9: {  	_ =	swait.ge [sflag:s4], $0x190  }
0xa: {  	s7 =	simm.s32 $0x200;
	s8 =	simm.s32 $0x1;
	[sflag:s4] =	ssyncset.done $0x0  }
0xb: {  	s10 =	smul.u32 $0x1900, s6;
	s6 =	simm.s32 $0x50;
	[sflag:s4] =	ssyncadd.s32 $0xFFFFFE70  }
0xc: {  	[tilespmem:s7], [sflag:$0x1] =	stream.indirect.gather [hbm4b:s2+s6], $0x80, s3, s6, $0xb8;
	[tilespmem:$0x2A00] =	vst v63  }
0xd: {  	_ =	swait.ge [sflag:s8], $0x2800  }
0xe: {  	s16 =	sadd.s32 s10, s9;
	[sflag:s8] =	ssyncset.done $0x0  }
0xf: {  	s9 =	sadd.s32 $0x3C00, s16;
	[sflag:s8] =	ssyncadd.s32 $0xFFFFD800  }
0x10: {  	[hbm4b:s9+s3] =	stream.linear.scatter [tilespmem:s7], [sflag:$0x2], $0x2800, $0x38;
	[tilespmem:$0x2A00] =	vst v63  }
0x11: {  	_ =	swait.ge [sflag:s4], $0x2800  }
0x12: {  	[sflag:s4] =	ssyncset.done $0x0  }
0x13: {  	[sflag:s4] =	ssyncadd.s32 $0xFFFFD800  }
0x14: {  	[tilespmem:s7], [sflag:$0x1] =	stream.indirect.gather [hbm4b:s2+s6], $0x80, s6, s6, $0xb8;
	[tilespmem:$0x2A00] =	vst v63  }
0x15: {  	_ =	swait.ge [sflag:s8], $0x2800  }
0x16: {  	[sflag:s8] =	ssyncset.done $0x0  }
0x17: {  	s10 =	sadd.s32 $0x4100, s16;
	[sflag:s8] =	ssyncadd.s32 $0xFFFFD800  }
0x18: {  	[hbm4b:s10+s3] =	stream.linear.scatter [tilespmem:s7], [sflag:$0x2], $0x2800, $0x38;
	[tilespmem:$0x2A00] =	vst v63  }
0x19: {  	_ =	swait.ge [sflag:s4], $0x2800  }
0x1a: {  	[sflag:s4] =	ssyncset.done $0x0  }
0x1b: {  	s11 =	simm.s32 $0xA0;
	[sflag:s4] =	ssyncadd.s32 $0xFFFFD800  }
0x1c: {  	[tilespmem:s7], [sflag:$0x1] =	stream.indirect.gather [hbm4b:s2+s6], $0x80, s11, s6, $0xb8;
	[tilespmem:$0x2A00] =	vst v63  }
0x1d: {  	_ =	swait.ge [sflag:s8], $0x2800  }
0x1e: {  	[sflag:s8] =	ssyncset.done $0x0  }
0x1f: {  	s12 =	sadd.s32 $0x4600, s16;
	[sflag:s8] =	ssyncadd.s32 $0xFFFFD800  }
0x20: {  	[hbm4b:s12+s3] =	stream.linear.scatter [tilespmem:s7], [sflag:$0x2], $0x2800, $0x38;
	[tilespmem:$0x2A00] =	vst v63  }
0x21: {  	_ =	swait.ge [sflag:s4], $0x2800  }
0x22: {  	[sflag:s4] =	ssyncset.done $0x0  }
0x23: {  	s13 =	simm.s32 $0xF0;
	[sflag:s4] =	ssyncadd.s32 $0xFFFFD800  }
0x24: {  	[tilespmem:s7], [sflag:$0x1] =	stream.indirect.gather [hbm4b:s2+s6], $0x80, s13, s6, $0xb8;
	[tilespmem:$0x2A00] =	vst v63  }
0x25: {  	_ =	swait.ge [sflag:s8], $0x2800  }
0x26: {  	[sflag:s8] =	ssyncset.done $0x0  }
0x27: {  	s17 =	ssub.s32 $0x2, s15;
	s14 =	sadd.s32 $0x4B00, s16;
	[sflag:s8] =	ssyncadd.s32 $0xFFFFD800  }
0x28: {  	[hbm4b:s14+s3] =	stream.linear.scatter [tilespmem:s7], [sflag:$0x2], $0x2800, $0x38;
	[tilespmem:$0x2A00] =	vst v63  }
0x29: {  	s18 =	sshrl.u32 s17, $0x1;
	_ =	swait.ge [sflag:s4], $0x2800  }
0x2a: {  	s17 =	ssub.s32 s17, s18;
	[sflag:s4] =	ssyncset.done $0x0  }
0x2b: {  	s15 =	simm.s32 $0x140;
	s17 =	smax.u32 s17, $0x1;
	[sflag:s4] =	ssyncadd.s32 $0xFFFFD800  }
0x2c: {  	[tilespmem:s7], [sflag:$0x1] =	stream.indirect.gather [hbm4b:s2+s6], $0x80, s15, s6, $0xb8;
	[tilespmem:$0x2A00] =	vst v63  }
0x2d: {  	p0 =	sne.s32 s17, $0x1;
	_ =	swait.ge [sflag:s8], $0x2800  }
.Ltmp0:
0x2e: {  	[sflag:s8] =	ssyncset.done $0x0;
	(pc) =	sbr.rel @!p0 .LBB2_2-.Ltmp0, $4  }
0x2f: {  	s16 =	sadd.s32 $0x5000, s16;
	[sflag:s8] =	ssyncadd.s32 $0xFFFFD800  }
0x30: {  	[hbm4b:s16+s3] =	stream.linear.scatter [tilespmem:s7], [sflag:$0x2], $0x2800, $0x38;
	[tilespmem:$0x2A00] =	vst v63  }
0x31: {  	_ =	swait.ge [sflag:s4], $0x2800  }
0x32: {  	s17 =	sadd.s32 $0xFFFFFFFF, s17;
	[sflag:s4] =	ssyncset.done $0x0  }
.LBB2_1:
0x33: {  	p0 =	sne.s32 s17, $0x1;
	s17 =	sadd.s32 $0xFFFFFFFF, s17;
	[sflag:s4] =	ssyncadd.s32 $0xFFFFD800  }
0x34: {  	[tilespmem:s3], [sflag:$0x2] =	stream.linear.gather [hbm4b:s5+s3], $0x190, $0x38;
	[tilespmem:$0x2A00] =	vst v63  }
0x35: {  	_ =	swait.ge [sflag:s4], $0x190  }
0x36: {  	[sflag:s4] =	ssyncset.done $0x0  }
0x37: {  	[sflag:s4] =	ssyncadd.s32 $0xFFFFFE70  }
0x38: {  	[tilespmem:s7], [sflag:$0x1] =	stream.indirect.gather [hbm4b:s2+s6], $0x80, s3, s6, $0xb8;
	[tilespmem:$0x2A00] =	vst v63  }
0x39: {  	_ =	swait.ge [sflag:s8], $0x2800  }
0x3a: {  	[sflag:s8] =	ssyncset.done $0x0  }
0x3b: {  	[sflag:s8] =	ssyncadd.s32 $0xFFFFD800  }
0x3c: {  	[hbm4b:s9+s3] =	stream.linear.scatter [tilespmem:s7], [sflag:$0x2], $0x2800, $0x38;
	[tilespmem:$0x2A00] =	vst v63  }
0x3d: {  	_ =	swait.ge [sflag:s4], $0x2800  }
0x3e: {  	[sflag:s4] =	ssyncset.done $0x0  }
0x3f: {  	[sflag:s4] =	ssyncadd.s32 $0xFFFFD800  }
0x40: {  	[tilespmem:s7], [sflag:$0x1] =	stream.indirect.gather [hbm4b:s2+s6], $0x80, s6, s6, $0xb8;
	[tilespmem:$0x2A00] =	vst v63  }
0x41: {  	_ =	swait.ge [sflag:s8], $0x2800  }
0x42: {  	[sflag:s8] =	ssyncset.done $0x0  }
0x43: {  	[sflag:s8] =	ssyncadd.s32 $0xFFFFD800  }
0x44: {  	[hbm4b:s10+s3] =	stream.linear.scatter [tilespmem:s7], [sflag:$0x2], $0x2800, $0x38;
	[tilespmem:$0x2A00] =	vst v63  }
0x45: {  	_ =	swait.ge [sflag:s4], $0x2800  }
0x46: {  	[sflag:s4] =	ssyncset.done $0x0  }
0x47: {  	[sflag:s4] =	ssyncadd.s32 $0xFFFFD800  }
0x48: {  	[tilespmem:s7], [sflag:$0x1] =	stream.indirect.gather [hbm4b:s2+s6], $0x80, s11, s6, $0xb8;
	[tilespmem:$0x2A00] =	vst v63  }
0x49: {  	_ =	swait.ge [sflag:s8], $0x2800  }
0x4a: {  	[sflag:s8] =	ssyncset.done $0x0  }
0x4b: {  	[sflag:s8] =	ssyncadd.s32 $0xFFFFD800  }
0x4c: {  	[hbm4b:s12+s3] =	stream.linear.scatter [tilespmem:s7], [sflag:$0x2], $0x2800, $0x38;
	[tilespmem:$0x2A00] =	vst v63  }
0x4d: {  	_ =	swait.ge [sflag:s4], $0x2800  }
0x4e: {  	[sflag:s4] =	ssyncset.done $0x0  }
0x4f: {  	[sflag:s4] =	ssyncadd.s32 $0xFFFFD800  }
0x50: {  	[tilespmem:s7], [sflag:$0x1] =	stream.indirect.gather [hbm4b:s2+s6], $0x80, s13, s6, $0xb8;
	[tilespmem:$0x2A00] =	vst v63  }
0x51: {  	_ =	swait.ge [sflag:s8], $0x2800  }
0x52: {  	[sflag:s8] =	ssyncset.done $0x0  }
0x53: {  	[sflag:s8] =	ssyncadd.s32 $0xFFFFD800  }
0x54: {  	[hbm4b:s14+s3] =	stream.linear.scatter [tilespmem:s7], [sflag:$0x2], $0x2800, $0x38;
	[tilespmem:$0x2A00] =	vst v63  }
0x55: {  	_ =	swait.ge [sflag:s4], $0x2800  }
0x56: {  	[sflag:s4] =	ssyncset.done $0x0  }
0x57: {  	[sflag:s4] =	ssyncadd.s32 $0xFFFFD800  }
0x58: {  	[tilespmem:s7], [sflag:$0x1] =	stream.indirect.gather [hbm4b:s2+s6], $0x80, s15, s6, $0xb8;
	[tilespmem:$0x2A00] =	vst v63  }
0x59: {  	_ =	swait.ge [sflag:s8], $0x2800  }
.Ltmp1:
0x5a: {  	[sflag:s8] =	ssyncset.done $0x0;
	(pc) =	sbr.rel @p0 .LBB2_1-.Ltmp1, $4  }
0x5b: {  	[sflag:s8] =	ssyncadd.s32 $0xFFFFD800  }
0x5c: {  	[hbm4b:s16+s3] =	stream.linear.scatter [tilespmem:s7], [sflag:$0x2], $0x2800, $0x38;
	[tilespmem:$0x2A00] =	vst v63  }
0x5d: {  	_ =	swait.ge [sflag:s4], $0x2800  }
0x5e: {  	[sflag:s4] =	ssyncset.done $0x0  }
.LBB2_2:
0x5f: {  	[sflag:s4] =	ssyncadd.s32 $0xFFFFD800  }
0x60: {  	_ =	sfence.sel $0x180000  }
0x61: {  	[bflag:$0x0] =	sbarrier.arrive $0xFFFF  }
0x62: {  	p0 =	sne.s32 s0, $0x0;
	_ =	strace $0x9000004A  }
0x63: {  	s0 =	sadd.s32 @!p0 $0x100000, s1;
	[bflag:$0x2] =	sbarrier.arrive $0xFFFF  }
0x64: {  	[sflag:s0] =	ssyncadd.tile.s32 @!p0 $0x1;
	_ =	shalt  }
.Lfunc_end2:
_tile_overlayer_lowered:
.L_overlay_start_2:
0x65: {  	(tag) =	ssettag $0x2  }
0x66: {  	s0 =	rddreg [dreg:$0x0];
	s2 =	stileid.u32  }
0x67: {  	s1 =	rddreg [dreg:$0x1];
	p0 =	sne.s32 s2, $0x0  }
0x68: {  	s3 =	rddreg [dreg:$0x2];
	[bflag:$0x3] =	sbarrier.arrive $0xFFFF;
	s2 =	simm.s32 @!p0 $0x1C02  }
0x69: {  	[timem:s3], [sflag:s2] =	dma.local @!p0 [hbm:s0], s1  }
0x6a: {  	s0 =	simm.s32 @!p0 $0x2  }
0x6b: {  	_ =	swait.ge @!p0 [sflag:s0], s1  }
0x6c: {  	s1 =	ssub.s32 @!p0 $0x0, s1;
	[sflag:s0] =	ssyncset.done @!p0 $0x0  }
0x6d: {  	[sflag:s0] =	ssyncadd.s32 @!p0 s1  }
0x6e: {  	[bflag:$0x3] =	sbarrier.arrive $0xFFFF  }
0x6f: {  	_ =	shalt  }

// kernel: kernel.16.cloned.1.call-start
scs
__scs_entry_jumppad:
0x0: {  	(pc) =	sbr.rel $0x88, $3  }
0x1: {  	(tag) =	ssettag $0x0;
	lr =	simm.s32 $0x1  }
0x2: {  	[smem:$0x3F9D] =	sst lr;
	_ =	strace $0xD0000000  }
0x3: {  	_ = 	snop  }
0x4: {  	_ = 	snop  }
0x5: {  	_ = 	snop  }
0x6: {  	_ = 	snop  }
0x7: {  	_ = 	snop  }
__scs_overlays_trampoline_lowered:
0x8: {  	[smem:$0x3FAC] =	sst s0  }
0x9: {  	[smem:$0x3FAD] =	sst s1  }
0xa: {  	[smem:$0x3FAE] =	sst s2  }
0xb: {  	[smem:$0x3FAF] =	sst s3  }
0xc: {  	[smem:$0x3FB0] =	sst s4  }
0xd: {  	[smem:$0x3FB1] =	sst s5  }
0xe: {  	[smem:$0x3FB2] =	sst s6  }
0xf: {  	[smem:$0x3FB3] =	sst s7  }
0x10: {  	[smem:$0x3FB4] =	sst s8  }
0x11: {  	[smem:$0x3FB5] =	sst s9;
	s0 =	simm.s32 @!p0 $0x0  }
0x12: {  	s1 =	sld [smem:$0x3F9B];
	s0 =	simm.s32 @p0 $0x1  }
0x13: {  	[smem:$0x3FB6] =	sst s0;
	s0 =	simm.s32 @!p1 $0x0  }
0x14: {  	s2 =	sld [smem:$0x3F9A];
	s0 =	simm.s32 @p1 $0x1  }
0x15: {  	[smem:$0x3FB7] =	sst s0;
	s0 =	simm.s32 @!p2 $0x0  }
0x16: {  	s3 =	sld [smem:$0x3FDB];
	s0 =	simm.s32 @p2 $0x1  }
0x17: {  	s4 =	simm.s32 $0x1BF5;
	[smem:$0x3FB9] =	sst s0  }
0x18: {  	s0 =	sld [smem:$0x3F9C];
	_ =	swait.ge [sflag:s4], $0x0  }
0x19: {  	s7 =	sld [smem:$0x3F9D]  }
0x1a: {  	s8 =	sadd.s32 $0xFFFFE003, lr  }
0x1b: {  	s9 =	sadd.s32 $0xFFFFFEF7, lr;
	s5 =	simm.s32 $0xFFFFFFFF;
	p2 =	slt.u32 s8, $0xFFFFF086  }
0x1c: {  	p1 =	slt.u32 s9, $0xF7A;
	s5 =	simm.s32 @!p2 $0x0  }
0x1d: {  	s5 =	simm.s32 @p1 $0x1;
	p0 =	seq.s32 s7, s2  }
0x1e: {  	s7 =	smul.u32 @!p0 $0xF7A, s2;
	p2 =	seq.s32 @!p0 s5, $0x0  }
0x1f: {  	s9 =	smul.u32 $0xF7A, s1;
	s8 =	simm.s32 @!p0 $0x1BF5;
	p2 =	por !p2, p0  }
0x20: {  	[sflag:s8] =	ssyncset.s32 @!p0 $0xFFFFF086;
	s6 =	sadd.s32 @!p0 s3, s7;
	s7 =	simm.s32 @!p0 $0x108  }
0x21: {  	s3 =	sadd.s32 s3, s9;
	s6 =	sadd.s32 @!p0 $0x88, s6;
	s7 =	simm.s32 @p2 $0x1082  }
0x22: {  	[simem:s7], [sflag:s8] =	dma.local @!p0 [hbm:s6], $0xF7A  }
0x23: {  	s9 =	sor.u32 $0xD0000000, s2;
	s6 =	simm.s32 $0x108;
	_ =	swait.ge @!p0 [sflag:s8], $0x0  }
0x24: {  	s3 =	sadd.s32 $0x88, s3;
	s6 =	simm.s32 @!p1 $0x1082;
	[sflag:s4] =	ssyncset.s32 $0xFFFFF086  }
0x25: {  	[simem:s6], [sflag:s4] =	dma.local [hbm:s3], $0xF7A  }
0x26: {  	[smem:$0x3F9D] =	sst s1;
	(tag) =	ssettag s2;
	_ =	strace s9  }
0x27: {  	s1 =	sld [smem:$0x3FAD]  }
0x28: {  	s2 =	sld [smem:$0x3FAE]  }
0x29: {  	s4 =	sld [smem:$0x3FB0]  }
0x2a: {  	p0 =	seq.s32 s5, $0x0;
	s5 =	sld [smem:$0x3FB1]  }
0x2b: {  	s6 =	sld [smem:$0x3FB2]  }
0x2c: {  	s7 =	sld [smem:$0x3FB3]  }
0x2d: {  	s3 =	simm.s32 $0x108;
	s8 =	sld [smem:$0x3FB4]  }
0x2e: {  	s3 =	simm.s32 @!p0 $0x1082;
	s9 =	sld [smem:$0x3FB5]  }
0x2f: {  	lr =	sadd.s32 s0, s3;
	s0 =	sld [smem:$0x3FAC]  }
0x30: {  	s3 =	sld [smem:$0x3FAF]  }
0x31: {  	[smem:$0x3FB8] =	sst s10  }
0x32: {  	s10 =	sld [smem:$0x3FB6];
	_ =	sdelay $0x3  }
0x33: {  	p0 =	seq.s32 s10, $0x1;
	s10 =	sld [smem:$0x3FB8];
	_ =	sdelay $0x3  }
0x34: {  	[smem:$0x3FB8] =	sst s10  }
0x35: {  	s10 =	sld [smem:$0x3FB7];
	_ =	sdelay $0x3  }
0x36: {  	p1 =	seq.s32 s10, $0x1;
	s10 =	sld [smem:$0x3FB8];
	_ =	sdelay $0x3  }
0x37: {  	[smem:$0x3FB8] =	sst s10  }
0x38: {  	s10 =	sld [smem:$0x3FB9]  }
0x39: {  	_ = 	snop;
	(pc) =	sbr.ind lr, $3  }
0x3a: {  	_ = 	snop  }
0x3b: {  	_ = 	snop  }
0x3c: {  	p2 =	seq.s32 s10, $0x1;
	s10 =	sld [smem:$0x3FB8]  }
0x3d: {  	_ =	shalt  }
0x3e: {  	_ =	shalt  }
0x3f: {  	_ =	shalt  }
0x40: {  	_ =	shalt  }
0x41: {  	_ =	shalt  }
0x42: {  	_ =	shalt  }
0x43: {  	_ =	shalt  }
0x44: {  	_ =	shalt  }
0x45: {  	_ =	shalt  }
0x46: {  	_ =	shalt  }
0x47: {  	_ =	shalt  }
0x48: {  	_ =	shalt  }
0x49: {  	_ =	shalt  }
0x4a: {  	_ =	shalt  }
0x4b: {  	_ =	shalt  }
0x4c: {  	_ =	shalt  }
0x4d: {  	_ =	shalt  }
0x4e: {  	_ =	shalt  }
0x4f: {  	_ =	shalt  }
0x50: {  	_ =	shalt  }
0x51: {  	_ =	shalt  }
0x52: {  	_ =	shalt  }
0x53: {  	_ =	shalt  }
0x54: {  	_ =	shalt  }
0x55: {  	_ =	shalt  }
0x56: {  	_ =	shalt  }
0x57: {  	_ =	shalt  }
0x58: {  	_ =	shalt  }
0x59: {  	_ =	shalt  }
0x5a: {  	_ =	shalt  }
0x5b: {  	_ =	shalt  }
0x5c: {  	_ =	shalt  }
0x5d: {  	_ =	shalt  }
0x5e: {  	_ =	shalt  }
0x5f: {  	_ =	shalt  }
0x60: {  	_ =	shalt  }
0x61: {  	_ =	shalt  }
0x62: {  	_ =	shalt  }
0x63: {  	_ =	shalt  }
0x64: {  	_ =	shalt  }
0x65: {  	_ =	shalt  }
0x66: {  	_ =	shalt  }
0x67: {  	_ =	shalt  }
0x68: {  	_ =	shalt  }
0x69: {  	_ =	shalt  }
0x6a: {  	_ =	shalt  }
0x6b: {  	_ =	shalt  }
0x6c: {  	_ =	shalt  }
0x6d: {  	_ =	shalt  }
0x6e: {  	_ =	shalt  }
0x6f: {  	_ =	shalt  }
0x70: {  	_ =	shalt  }
0x71: {  	_ =	shalt  }
0x72: {  	_ =	shalt  }
0x73: {  	_ =	shalt  }
0x74: {  	_ =	shalt  }
0x75: {  	_ =	shalt  }
0x76: {  	_ =	shalt  }
0x77: {  	_ =	shalt  }
0x78: {  	_ =	shalt  }
0x79: {  	_ =	shalt  }
0x7a: {  	_ =	shalt  }
0x7b: {  	_ =	shalt  }
0x7c: {  	_ =	shalt  }
0x7d: {  	_ =	shalt  }
0x7e: {  	_ =	shalt  }
0x7f: {  	_ =	shalt  }
0x80: {  	_ =	shalt  }
0x81: {  	_ =	shalt  }
0x82: {  	_ =	shalt  }
0x83: {  	_ =	shalt  }
0x84: {  	_ =	shalt  }
0x85: {  	_ =	shalt  }
0x86: {  	_ =	shalt  }
0x87: {  	_ =	shalt  }
.Lfunc_end0:
.L_simem_size_0:
called_computation.2_lowered:
.L_overlay_start_0:
0x88: {  	s2 =	sld [smem:$0x3FD9]  }
0x89: {  	s3 =	sld [smem:$0x3FFE];
	_ =	sdelay $0x1  }
0x8a: {  	s1 =	srdreg.scid  }
0x8b: {  	s0 =	sand.u32 $0x1, s1  }
0x8c: {  	s17 =	sshll.u32 s0, $0xA;
	s2 =	sadd.s32 s3, s2  }
0x8d: {  	s2 =	sadd.s32 s2, s17  }
0x8e: {  	[smem:$0x3FC4] =	sst s2  }
0x8f: {  	_ = 	snop  }
0x90: {  	s18 =	sld [smem:$0x3FC7];
	(tm) =	ssettm $0x1  }
0x91: {  	s19 =	sld [smem:$0x3FFB];
	_ =	sdelay $0x3  }
0x92: {  	_ =	strace s19  }
0x93: {  	s2 =	sld [smem:$0x3FFC];
	_ =	sdelay $0x3  }
0x94: {  	_ =	strace s2  }
0x95: {  	s2 =	sld [smem:$0x3FFD];
	_ =	sdelay $0x3  }
0x96: {  	_ =	strace s2  }
0x97: {  	_ =	strace $0x8FFFFFFF  }
0x98: {  	s20 =	sld [smem:$0x3FDB];
	_ =	sdelay $0x1  }
0x99: {  	s4 =	simm.s32 $_scs_section_size  }
0x9a: {  	s5 =	simm.s32 $_size__tile_overlayer_lowered;
	s6 =	simm.s32 $_tile_overlayer_lowered  }
0x9b: {  	s7 =	simm.s32 $0x1BFF;
	s21 =	sshll.u32 s6, $0x1;
	s4 =	sadd.s32 s4, s20  }
0x9c: {  	s22 =	simm.s32 $0x0;
	s5 =	sshll.u32 s5, $0x1;
	s6 =	sadd.s32 s21, s4  }
0x9d: {  	[timem:s22], [sflag:s7] =	dma.local [hbm:s6], s5  }
0x9e: {  	_ =	swait.ge [sflag:s7], s5  }
0x9f: {  	s5 =	ssub.s32 $0x0, s5;
	[sflag:s7] =	ssyncset.done $0x0  }
0xa0: {  	[sflag:s7] =	ssyncadd.s32 s5;
	_ =	sdelay $0x1  }
0xa1: {  	s23 =	simm.s32 $0x1B8B  }
0xa2: {  	_ =	swait.ge [sflag:s23], $0x1  }
0xa3: {  	[sflag:s23] =	ssyncset.done $0x0  }
0xa4: {  	[sflag:s23] =	ssyncadd.s32 $0xFFFFFFFF  }
0xa5: {  	s5 =	sld [smem:$0x0]  }
0xa6: {  	s6 =	sand.u32 $0xFFFFFFFE, s1  }
0xa7: {  	p0 =	sne.s32 s1, s6  }
0xa8: {  	s6 =	sshll.u32 @p0 s6, $0xE  }
0xa9: {  	s6 =	sadd.s32 @p0 $0x11B8D, s6;
	s7 =	sshll.u32 @p0 s5, $0x11  }
0xaa: {  	s6 =	sor.u32 @p0 s7, s6  }
0xab: {  	[sflag:s6] =	ssyncadd.remote.s32 @p0 $0x1;
	_ =	sdelay $0x1  }
0xac: {  	s6 =	simm.s32 @p0 $0x1B8D  }
0xad: {  	_ =	swait.eq @p0 [sflag:s6], $0x1  }
0xae: {  	[sflag:s6] =	ssyncadd.s32 @p0 $0xFFFFFFFF  }
0xaf: {  	s7 =	sshll.u32 @!p0 s1, $0xE  }
0xb0: {  	s7 =	sor.u32 @!p0 $0x4000, s7;
	s6 =	simm.s32 @!p0 $0x1B8D  }
0xb1: {  	s5 =	sshll.u32 @!p0 s5, $0x11;
	s7 =	sadd.s32 @!p0 $0x11B8D, s7;
	_ =	swait.eq @!p0 [sflag:s6], $0x1  }
0xb2: {  	s5 =	sor.u32 @!p0 s5, s7;
	[sflag:s6] =	ssyncadd.s32 @!p0 $0xFFFFFFFF  }
0xb3: {  	s25 =	simm.s32 $0x1B8E;
	s24 =	sld [smem:$0x3FFE];
	[sflag:s5] =	ssyncadd.remote.s32 @!p0 $0x1  }
0xb4: {  	s26 =	simm.s32 $execute0_lowered;
	[smem:$0x3FD2] =	sst s25  }
0xb5: {  	s6 =	sshll.u32 s26, $0x1;
	_ =	strace $0x8000004C;
	[dreg:$0x1] =	wrdreg $0xFFFFFFFF  }
0xb6: {  	s28 =	simm.s32 $_size_execute0_lowered;
	s4 =	sadd.s32 s4, s6;
	[dreg:$0x0] =	wrdreg $0x0  }
0xb7: {  	s6 =	sshll.u32 s28, $0x1;
	[dreg:$0x2] =	wrdreg s4  }
0xb8: {  	[dreg:$0x3] =	wrdreg s6  }
0xb9: {  	[dreg:$0x4] =	wrdreg $0xC0  }
0xba: {  	_ =	task [dreg:s22], $0x5FFFF  }
0xbb: {  	[dreg:$0x1] =	wrdreg $0xFFFFFFFF  }
0xbc: {  	[dreg:$0x0] =	wrdreg $0x60  }
0xbd: {  	[dreg:$0x2] =	wrdreg s18  }
0xbe: {  	[dreg:$0x3] =	wrdreg s24  }
0xbf: {  	[dreg:$0x4] =	wrdreg $0xB  }
0xc0: {  	_ =	task.clear_ibuf [dreg:s22], $0x5FFFF;
	_ =	strace $0x9000004C  }
0xc1: {  	s29 =	simm.s32 $0xB;
	_ =	strace $0x8000004E  }
0xc2: {  	_ =	swait.ge [sflag:s29], $0x1  }
0xc3: {  	[sflag:s29] =	ssyncadd.s32 $0xFFFFFFFF  }
0xc4: {  	_ =	strace $0x9000004E  }
0xc5: {  	_ =	sfence  }
0xc6: {  	s30 =	sld [smem:$0x0];
	_ =	sdelay $0x2  }
0xc7: {  	s31 =	sshll.u32 s1, $0xD;
	s1 =	sshrl.u32 s1, $0x2  }
0xc8: {  	s4 =	sand.u32 $0x4000, s31;
	s1 =	sadd.s32 s1, s30  }
0xc9: {  	s0 =	sor.u32 s4, s0;
	s1 =	sshll.u32 s1, $0x11  }
0xca: {  	s0 =	sor.u32 s1, s0  }
0xcb: {  	s0 =	sadd.s32 $0x8F2B, s0  }
0xcc: {  	[sflag:s0] =	ssyncadd.remote.s32 $0x1  }
0xcd: {  	_ =	sfence.sel $0xFFFF  }
0xce: {  	[dreg:$0x0] =	wrdreg $0xFFFFFFFF;
	(pc) =	sbr.abs _section_cstart, $3  }
0xcf: {  	[dreg:$0x1] =	wrdreg $0xFFFFFFFF  }
0xd0: {  	_ =	task.clear_ibuf [dreg:s22], $0x2FFFF;
	_ =	strace $0x9FFFFFFF  }
0xd1: {  	(tm) =	ssettm $0x7FFFFFFF  }
tec
execute0_lowered:
.L_overlay_start_1:
0x0: {  	(tag) =	ssettag $0x1  }
0x1: {  	s1 =	srdreg.scid;
	s0 =	stileid.u32  }
0x2: {  	s15 =	sand.u32 $0x1, s1;
	s31 =	sshll.u32 s0, $0x1  }
0x3: {  	s2 =	rddreg [dreg:$0x0];
	s6 =	sor.u32 s15, s31  }
0x4: {  	s9 =	rddreg [dreg:$0x1];
	s4 =	smul.u32 $0x32, s6  }
0x5: {  	s3 =	simm.s32 $0x0;
	s1 =	rddreg [dreg:$0x2]  }
0x6: {  	[smem:$0x7FF] =	sst s3;
	s4 =	sadd.s32 s4, s9  }
0x7: {  	_ =	strace $0x8000004D;
	s5 =	sadd.s32 $0x2C00, s4;
	s4 =	simm.s32 $0x2  }
0x8: {  	[tilespmem:s3], [sflag:$0x2] =	stream.linear.gather [hbm4b:s5+s3], $0x190, $0x38;
	[tilespmem:$0x2A00] =	vst v63  }
0x9: {  	_ =	swait.ge [sflag:s4], $0x190  }
0xa: {  	s7 =	simm.s32 $0x200;
	s8 =	simm.s32 $0x1;
	[sflag:s4] =	ssyncset.done $0x0  }
0xb: {  	s10 =	smul.u32 $0x1900, s6;
	s6 =	simm.s32 $0x50;
	[sflag:s4] =	ssyncadd.s32 $0xFFFFFE70  }
0xc: {  	[tilespmem:s7], [sflag:$0x1] =	stream.indirect.gather [hbm4b:s2+s6], $0x80, s3, s6, $0xb8;
	[tilespmem:$0x2A00] =	vst v63  }
0xd: {  	_ =	swait.ge [sflag:s8], $0x2800  }
0xe: {  	s16 =	sadd.s32 s10, s9;
	[sflag:s8] =	ssyncset.done $0x0  }
0xf: {  	s9 =	sadd.s32 $0x35C00, s16;
	[sflag:s8] =	ssyncadd.s32 $0xFFFFD800  }
0x10: {  	[hbm4b:s9+s3] =	stream.linear.scatter [tilespmem:s7], [sflag:$0x2], $0x2800, $0x38;
	[tilespmem:$0x2A00] =	vst v63  }
0x11: {  	_ =	swait.ge [sflag:s4], $0x2800  }
0x12: {  	[sflag:s4] =	ssyncset.done $0x0  }
0x13: {  	[sflag:s4] =	ssyncadd.s32 $0xFFFFD800  }
0x14: {  	[tilespmem:s7], [sflag:$0x1] =	stream.indirect.gather [hbm4b:s2+s6], $0x80, s6, s6, $0xb8;
	[tilespmem:$0x2A00] =	vst v63  }
0x15: {  	_ =	swait.ge [sflag:s8], $0x2800  }
0x16: {  	[sflag:s8] =	ssyncset.done $0x0  }
0x17: {  	s10 =	sadd.s32 $0x36100, s16;
	[sflag:s8] =	ssyncadd.s32 $0xFFFFD800  }
0x18: {  	[hbm4b:s10+s3] =	stream.linear.scatter [tilespmem:s7], [sflag:$0x2], $0x2800, $0x38;
	[tilespmem:$0x2A00] =	vst v63  }
0x19: {  	_ =	swait.ge [sflag:s4], $0x2800  }
0x1a: {  	[sflag:s4] =	ssyncset.done $0x0  }
0x1b: {  	s11 =	simm.s32 $0xA0;
	[sflag:s4] =	ssyncadd.s32 $0xFFFFD800  }
0x1c: {  	[tilespmem:s7], [sflag:$0x1] =	stream.indirect.gather [hbm4b:s2+s6], $0x80, s11, s6, $0xb8;
	[tilespmem:$0x2A00] =	vst v63  }
0x1d: {  	_ =	swait.ge [sflag:s8], $0x2800  }
0x1e: {  	[sflag:s8] =	ssyncset.done $0x0  }
0x1f: {  	s12 =	sadd.s32 $0x36600, s16;
	[sflag:s8] =	ssyncadd.s32 $0xFFFFD800  }
0x20: {  	[hbm4b:s12+s3] =	stream.linear.scatter [tilespmem:s7], [sflag:$0x2], $0x2800, $0x38;
	[tilespmem:$0x2A00] =	vst v63  }
0x21: {  	_ =	swait.ge [sflag:s4], $0x2800  }
0x22: {  	[sflag:s4] =	ssyncset.done $0x0  }
0x23: {  	s13 =	simm.s32 $0xF0;
	[sflag:s4] =	ssyncadd.s32 $0xFFFFD800  }
0x24: {  	[tilespmem:s7], [sflag:$0x1] =	stream.indirect.gather [hbm4b:s2+s6], $0x80, s13, s6, $0xb8;
	[tilespmem:$0x2A00] =	vst v63  }
0x25: {  	_ =	swait.ge [sflag:s8], $0x2800  }
0x26: {  	[sflag:s8] =	ssyncset.done $0x0  }
0x27: {  	s17 =	ssub.s32 $0x2, s15;
	s14 =	sadd.s32 $0x36B00, s16;
	[sflag:s8] =	ssyncadd.s32 $0xFFFFD800  }
0x28: {  	[hbm4b:s14+s3] =	stream.linear.scatter [tilespmem:s7], [sflag:$0x2], $0x2800, $0x38;
	[tilespmem:$0x2A00] =	vst v63  }
0x29: {  	s18 =	sshrl.u32 s17, $0x1;
	_ =	swait.ge [sflag:s4], $0x2800  }
0x2a: {  	s17 =	ssub.s32 s17, s18;
	[sflag:s4] =	ssyncset.done $0x0  }
0x2b: {  	s15 =	simm.s32 $0x140;
	s17 =	smax.u32 s17, $0x1;
	[sflag:s4] =	ssyncadd.s32 $0xFFFFD800  }
0x2c: {  	[tilespmem:s7], [sflag:$0x1] =	stream.indirect.gather [hbm4b:s2+s6], $0x80, s15, s6, $0xb8;
	[tilespmem:$0x2A00] =	vst v63  }
0x2d: {  	p0 =	sne.s32 s17, $0x1;
	_ =	swait.ge [sflag:s8], $0x2800  }
.Ltmp0:
0x2e: {  	[sflag:s8] =	ssyncset.done $0x0;
	(pc) =	sbr.rel @!p0 .LBB2_2-.Ltmp0, $4  }
0x2f: {  	s16 =	sadd.s32 $0x37000, s16;
	[sflag:s8] =	ssyncadd.s32 $0xFFFFD800  }
0x30: {  	[hbm4b:s16+s3] =	stream.linear.scatter [tilespmem:s7], [sflag:$0x2], $0x2800, $0x38;
	[tilespmem:$0x2A00] =	vst v63  }
0x31: {  	_ =	swait.ge [sflag:s4], $0x2800  }
0x32: {  	s17 =	sadd.s32 $0xFFFFFFFF, s17;
	[sflag:s4] =	ssyncset.done $0x0  }
.LBB2_1:
0x33: {  	p0 =	sne.s32 s17, $0x1;
	s17 =	sadd.s32 $0xFFFFFFFF, s17;
	[sflag:s4] =	ssyncadd.s32 $0xFFFFD800  }
0x34: {  	[tilespmem:s3], [sflag:$0x2] =	stream.linear.gather [hbm4b:s5+s3], $0x190, $0x38;
	[tilespmem:$0x2A00] =	vst v63  }
0x35: {  	_ =	swait.ge [sflag:s4], $0x190  }
0x36: {  	[sflag:s4] =	ssyncset.done $0x0  }
0x37: {  	[sflag:s4] =	ssyncadd.s32 $0xFFFFFE70  }
0x38: {  	[tilespmem:s7], [sflag:$0x1] =	stream.indirect.gather [hbm4b:s2+s6], $0x80, s3, s6, $0xb8;
	[tilespmem:$0x2A00] =	vst v63  }
0x39: {  	_ =	swait.ge [sflag:s8], $0x2800  }
0x3a: {  	[sflag:s8] =	ssyncset.done $0x0  }
0x3b: {  	[sflag:s8] =	ssyncadd.s32 $0xFFFFD800  }
0x3c: {  	[hbm4b:s9+s3] =	stream.linear.scatter [tilespmem:s7], [sflag:$0x2], $0x2800, $0x38;
	[tilespmem:$0x2A00] =	vst v63  }
0x3d: {  	_ =	swait.ge [sflag:s4], $0x2800  }
0x3e: {  	[sflag:s4] =	ssyncset.done $0x0  }
0x3f: {  	[sflag:s4] =	ssyncadd.s32 $0xFFFFD800  }
0x40: {  	[tilespmem:s7], [sflag:$0x1] =	stream.indirect.gather [hbm4b:s2+s6], $0x80, s6, s6, $0xb8;
	[tilespmem:$0x2A00] =	vst v63  }
0x41: {  	_ =	swait.ge [sflag:s8], $0x2800  }
0x42: {  	[sflag:s8] =	ssyncset.done $0x0  }
0x43: {  	[sflag:s8] =	ssyncadd.s32 $0xFFFFD800  }
0x44: {  	[hbm4b:s10+s3] =	stream.linear.scatter [tilespmem:s7], [sflag:$0x2], $0x2800, $0x38;
	[tilespmem:$0x2A00] =	vst v63  }
0x45: {  	_ =	swait.ge [sflag:s4], $0x2800  }
0x46: {  	[sflag:s4] =	ssyncset.done $0x0  }
0x47: {  	[sflag:s4] =	ssyncadd.s32 $0xFFFFD800  }
0x48: {  	[tilespmem:s7], [sflag:$0x1] =	stream.indirect.gather [hbm4b:s2+s6], $0x80, s11, s6, $0xb8;
	[tilespmem:$0x2A00] =	vst v63  }
0x49: {  	_ =	swait.ge [sflag:s8], $0x2800  }
0x4a: {  	[sflag:s8] =	ssyncset.done $0x0  }
0x4b: {  	[sflag:s8] =	ssyncadd.s32 $0xFFFFD800  }
0x4c: {  	[hbm4b:s12+s3] =	stream.linear.scatter [tilespmem:s7], [sflag:$0x2], $0x2800, $0x38;
	[tilespmem:$0x2A00] =	vst v63  }
0x4d: {  	_ =	swait.ge [sflag:s4], $0x2800  }
0x4e: {  	[sflag:s4] =	ssyncset.done $0x0  }
0x4f: {  	[sflag:s4] =	ssyncadd.s32 $0xFFFFD800  }
0x50: {  	[tilespmem:s7], [sflag:$0x1] =	stream.indirect.gather [hbm4b:s2+s6], $0x80, s13, s6, $0xb8;
	[tilespmem:$0x2A00] =	vst v63  }
0x51: {  	_ =	swait.ge [sflag:s8], $0x2800  }
0x52: {  	[sflag:s8] =	ssyncset.done $0x0  }
0x53: {  	[sflag:s8] =	ssyncadd.s32 $0xFFFFD800  }
0x54: {  	[hbm4b:s14+s3] =	stream.linear.scatter [tilespmem:s7], [sflag:$0x2], $0x2800, $0x38;
	[tilespmem:$0x2A00] =	vst v63  }
0x55: {  	_ =	swait.ge [sflag:s4], $0x2800  }
0x56: {  	[sflag:s4] =	ssyncset.done $0x0  }
0x57: {  	[sflag:s4] =	ssyncadd.s32 $0xFFFFD800  }
0x58: {  	[tilespmem:s7], [sflag:$0x1] =	stream.indirect.gather [hbm4b:s2+s6], $0x80, s15, s6, $0xb8;
	[tilespmem:$0x2A00] =	vst v63  }
0x59: {  	_ =	swait.ge [sflag:s8], $0x2800  }
.Ltmp1:
0x5a: {  	[sflag:s8] =	ssyncset.done $0x0;
	(pc) =	sbr.rel @p0 .LBB2_1-.Ltmp1, $4  }
0x5b: {  	[sflag:s8] =	ssyncadd.s32 $0xFFFFD800  }
0x5c: {  	[hbm4b:s16+s3] =	stream.linear.scatter [tilespmem:s7], [sflag:$0x2], $0x2800, $0x38;
	[tilespmem:$0x2A00] =	vst v63  }
0x5d: {  	_ =	swait.ge [sflag:s4], $0x2800  }
0x5e: {  	[sflag:s4] =	ssyncset.done $0x0  }
.LBB2_2:
0x5f: {  	[sflag:s4] =	ssyncadd.s32 $0xFFFFD800  }
0x60: {  	_ =	sfence.sel $0x180000  }
0x61: {  	[bflag:$0x0] =	sbarrier.arrive $0xFFFF  }
0x62: {  	p0 =	sne.s32 s0, $0x0;
	_ =	strace $0x9000004D  }
0x63: {  	s0 =	sadd.s32 @!p0 $0x100000, s1;
	[bflag:$0x2] =	sbarrier.arrive $0xFFFF  }
0x64: {  	[sflag:s0] =	ssyncadd.tile.s32 @!p0 $0x1;
	_ =	shalt  }
.Lfunc_end2:
_tile_overlayer_lowered:
.L_overlay_start_2:
0x65: {  	(tag) =	ssettag $0x2  }
0x66: {  	s0 =	rddreg [dreg:$0x0];
	s2 =	stileid.u32  }
0x67: {  	s1 =	rddreg [dreg:$0x1];
	p0 =	sne.s32 s2, $0x0  }
0x68: {  	s3 =	rddreg [dreg:$0x2];
	[bflag:$0x3] =	sbarrier.arrive $0xFFFF;
	s2 =	simm.s32 @!p0 $0x1C02  }
0x69: {  	[timem:s3], [sflag:s2] =	dma.local @!p0 [hbm:s0], s1  }
0x6a: {  	s0 =	simm.s32 @!p0 $0x2  }
0x6b: {  	_ =	swait.ge @!p0 [sflag:s0], s1  }
0x6c: {  	s1 =	ssub.s32 @!p0 $0x0, s1;
	[sflag:s0] =	ssyncset.done @!p0 $0x0  }
0x6d: {  	[sflag:s0] =	ssyncadd.s32 @!p0 s1  }
0x6e: {  	[bflag:$0x3] =	sbarrier.arrive $0xFFFF  }
0x6f: {  	_ =	shalt  }

// kernel: kernel.19.cloned.1.call-start
scs
__scs_entry_jumppad:
0x0: {  	(pc) =	sbr.rel $0x88, $3  }
0x1: {  	(tag) =	ssettag $0x0;
	lr =	simm.s32 $0x1  }
0x2: {  	[smem:$0x3F9D] =	sst lr;
	_ =	strace $0xD0000000  }
0x3: {  	_ = 	snop  }
0x4: {  	_ = 	snop  }
0x5: {  	_ = 	snop  }
0x6: {  	_ = 	snop  }
0x7: {  	_ = 	snop  }
__scs_overlays_trampoline_lowered:
0x8: {  	[smem:$0x3FAC] =	sst s0  }
0x9: {  	[smem:$0x3FAD] =	sst s1  }
0xa: {  	[smem:$0x3FAE] =	sst s2  }
0xb: {  	[smem:$0x3FAF] =	sst s3  }
0xc: {  	[smem:$0x3FB0] =	sst s4  }
0xd: {  	[smem:$0x3FB1] =	sst s5  }
0xe: {  	[smem:$0x3FB2] =	sst s6  }
0xf: {  	[smem:$0x3FB3] =	sst s7  }
0x10: {  	[smem:$0x3FB4] =	sst s8  }
0x11: {  	[smem:$0x3FB5] =	sst s9;
	s0 =	simm.s32 @!p0 $0x0  }
0x12: {  	s1 =	sld [smem:$0x3F9B];
	s0 =	simm.s32 @p0 $0x1  }
0x13: {  	[smem:$0x3FB6] =	sst s0;
	s0 =	simm.s32 @!p1 $0x0  }
0x14: {  	s2 =	sld [smem:$0x3F9A];
	s0 =	simm.s32 @p1 $0x1  }
0x15: {  	[smem:$0x3FB7] =	sst s0;
	s0 =	simm.s32 @!p2 $0x0  }
0x16: {  	s3 =	sld [smem:$0x3FDB];
	s0 =	simm.s32 @p2 $0x1  }
0x17: {  	s4 =	simm.s32 $0x1BF5;
	[smem:$0x3FB9] =	sst s0  }
0x18: {  	s0 =	sld [smem:$0x3F9C];
	_ =	swait.ge [sflag:s4], $0x0  }
0x19: {  	s7 =	sld [smem:$0x3F9D]  }
0x1a: {  	s8 =	sadd.s32 $0xFFFFE003, lr  }
0x1b: {  	s9 =	sadd.s32 $0xFFFFFEF7, lr;
	s5 =	simm.s32 $0xFFFFFFFF;
	p2 =	slt.u32 s8, $0xFFFFF086  }
0x1c: {  	p1 =	slt.u32 s9, $0xF7A;
	s5 =	simm.s32 @!p2 $0x0  }
0x1d: {  	s5 =	simm.s32 @p1 $0x1;
	p0 =	seq.s32 s7, s2  }
0x1e: {  	s7 =	smul.u32 @!p0 $0xF7A, s2;
	p2 =	seq.s32 @!p0 s5, $0x0  }
0x1f: {  	s9 =	smul.u32 $0xF7A, s1;
	s8 =	simm.s32 @!p0 $0x1BF5;
	p2 =	por !p2, p0  }
0x20: {  	[sflag:s8] =	ssyncset.s32 @!p0 $0xFFFFF086;
	s6 =	sadd.s32 @!p0 s3, s7;
	s7 =	simm.s32 @!p0 $0x108  }
0x21: {  	s3 =	sadd.s32 s3, s9;
	s6 =	sadd.s32 @!p0 $0x88, s6;
	s7 =	simm.s32 @p2 $0x1082  }
0x22: {  	[simem:s7], [sflag:s8] =	dma.local @!p0 [hbm:s6], $0xF7A  }
0x23: {  	s9 =	sor.u32 $0xD0000000, s2;
	s6 =	simm.s32 $0x108;
	_ =	swait.ge @!p0 [sflag:s8], $0x0  }
0x24: {  	s3 =	sadd.s32 $0x88, s3;
	s6 =	simm.s32 @!p1 $0x1082;
	[sflag:s4] =	ssyncset.s32 $0xFFFFF086  }
0x25: {  	[simem:s6], [sflag:s4] =	dma.local [hbm:s3], $0xF7A  }
0x26: {  	[smem:$0x3F9D] =	sst s1;
	(tag) =	ssettag s2;
	_ =	strace s9  }
0x27: {  	s1 =	sld [smem:$0x3FAD]  }
0x28: {  	s2 =	sld [smem:$0x3FAE]  }
0x29: {  	s4 =	sld [smem:$0x3FB0]  }
0x2a: {  	p0 =	seq.s32 s5, $0x0;
	s5 =	sld [smem:$0x3FB1]  }
0x2b: {  	s6 =	sld [smem:$0x3FB2]  }
0x2c: {  	s7 =	sld [smem:$0x3FB3]  }
0x2d: {  	s3 =	simm.s32 $0x108;
	s8 =	sld [smem:$0x3FB4]  }
0x2e: {  	s3 =	simm.s32 @!p0 $0x1082;
	s9 =	sld [smem:$0x3FB5]  }
0x2f: {  	lr =	sadd.s32 s0, s3;
	s0 =	sld [smem:$0x3FAC]  }
0x30: {  	s3 =	sld [smem:$0x3FAF]  }
0x31: {  	[smem:$0x3FB8] =	sst s10  }
0x32: {  	s10 =	sld [smem:$0x3FB6];
	_ =	sdelay $0x3  }
0x33: {  	p0 =	seq.s32 s10, $0x1;
	s10 =	sld [smem:$0x3FB8];
	_ =	sdelay $0x3  }
0x34: {  	[smem:$0x3FB8] =	sst s10  }
0x35: {  	s10 =	sld [smem:$0x3FB7];
	_ =	sdelay $0x3  }
0x36: {  	p1 =	seq.s32 s10, $0x1;
	s10 =	sld [smem:$0x3FB8];
	_ =	sdelay $0x3  }
0x37: {  	[smem:$0x3FB8] =	sst s10  }
0x38: {  	s10 =	sld [smem:$0x3FB9]  }
0x39: {  	_ = 	snop;
	(pc) =	sbr.ind lr, $3  }
0x3a: {  	_ = 	snop  }
0x3b: {  	_ = 	snop  }
0x3c: {  	p2 =	seq.s32 s10, $0x1;
	s10 =	sld [smem:$0x3FB8]  }
0x3d: {  	_ =	shalt  }
0x3e: {  	_ =	shalt  }
0x3f: {  	_ =	shalt  }
0x40: {  	_ =	shalt  }
0x41: {  	_ =	shalt  }
0x42: {  	_ =	shalt  }
0x43: {  	_ =	shalt  }
0x44: {  	_ =	shalt  }
0x45: {  	_ =	shalt  }
0x46: {  	_ =	shalt  }
0x47: {  	_ =	shalt  }
0x48: {  	_ =	shalt  }
0x49: {  	_ =	shalt  }
0x4a: {  	_ =	shalt  }
0x4b: {  	_ =	shalt  }
0x4c: {  	_ =	shalt  }
0x4d: {  	_ =	shalt  }
0x4e: {  	_ =	shalt  }
0x4f: {  	_ =	shalt  }
0x50: {  	_ =	shalt  }
0x51: {  	_ =	shalt  }
0x52: {  	_ =	shalt  }
0x53: {  	_ =	shalt  }
0x54: {  	_ =	shalt  }
0x55: {  	_ =	shalt  }
0x56: {  	_ =	shalt  }
0x57: {  	_ =	shalt  }
0x58: {  	_ =	shalt  }
0x59: {  	_ =	shalt  }
0x5a: {  	_ =	shalt  }
0x5b: {  	_ =	shalt  }
0x5c: {  	_ =	shalt  }
0x5d: {  	_ =	shalt  }
0x5e: {  	_ =	shalt  }
0x5f: {  	_ =	shalt  }
0x60: {  	_ =	shalt  }
0x61: {  	_ =	shalt  }
0x62: {  	_ =	shalt  }
0x63: {  	_ =	shalt  }
0x64: {  	_ =	shalt  }
0x65: {  	_ =	shalt  }
0x66: {  	_ =	shalt  }
0x67: {  	_ =	shalt  }
0x68: {  	_ =	shalt  }
0x69: {  	_ =	shalt  }
0x6a: {  	_ =	shalt  }
0x6b: {  	_ =	shalt  }
0x6c: {  	_ =	shalt  }
0x6d: {  	_ =	shalt  }
0x6e: {  	_ =	shalt  }
0x6f: {  	_ =	shalt  }
0x70: {  	_ =	shalt  }
0x71: {  	_ =	shalt  }
0x72: {  	_ =	shalt  }
0x73: {  	_ =	shalt  }
0x74: {  	_ =	shalt  }
0x75: {  	_ =	shalt  }
0x76: {  	_ =	shalt  }
0x77: {  	_ =	shalt  }
0x78: {  	_ =	shalt  }
0x79: {  	_ =	shalt  }
0x7a: {  	_ =	shalt  }
0x7b: {  	_ =	shalt  }
0x7c: {  	_ =	shalt  }
0x7d: {  	_ =	shalt  }
0x7e: {  	_ =	shalt  }
0x7f: {  	_ =	shalt  }
0x80: {  	_ =	shalt  }
0x81: {  	_ =	shalt  }
0x82: {  	_ =	shalt  }
0x83: {  	_ =	shalt  }
0x84: {  	_ =	shalt  }
0x85: {  	_ =	shalt  }
0x86: {  	_ =	shalt  }
0x87: {  	_ =	shalt  }
.Lfunc_end0:
.L_simem_size_0:
called_computation.3_lowered:
.L_overlay_start_0:
0x88: {  	s2 =	sld [smem:$0x3FD9]  }
0x89: {  	s3 =	sld [smem:$0x3FFE];
	_ =	sdelay $0x1  }
0x8a: {  	s1 =	srdreg.scid  }
0x8b: {  	s0 =	sand.u32 $0x1, s1  }
0x8c: {  	s17 =	sshll.u32 s0, $0xA;
	s2 =	sadd.s32 s3, s2  }
0x8d: {  	s2 =	sadd.s32 s2, s17  }
0x8e: {  	[smem:$0x3FC4] =	sst s2  }
0x8f: {  	_ = 	snop  }
0x90: {  	s18 =	sld [smem:$0x3FC7];
	(tm) =	ssettm $0x1  }
0x91: {  	s19 =	sld [smem:$0x3FFB];
	_ =	sdelay $0x3  }
0x92: {  	_ =	strace s19  }
0x93: {  	s2 =	sld [smem:$0x3FFC];
	_ =	sdelay $0x3  }
0x94: {  	_ =	strace s2  }
0x95: {  	s2 =	sld [smem:$0x3FFD];
	_ =	sdelay $0x3  }
0x96: {  	_ =	strace s2  }
0x97: {  	_ =	strace $0x8FFFFFFF  }
0x98: {  	s20 =	sld [smem:$0x3FDB];
	_ =	sdelay $0x1  }
0x99: {  	s4 =	simm.s32 $_scs_section_size  }
0x9a: {  	s5 =	simm.s32 $_size__tile_overlayer_lowered;
	s6 =	simm.s32 $_tile_overlayer_lowered  }
0x9b: {  	s7 =	simm.s32 $0x1BFF;
	s21 =	sshll.u32 s6, $0x1;
	s4 =	sadd.s32 s4, s20  }
0x9c: {  	s22 =	simm.s32 $0x0;
	s5 =	sshll.u32 s5, $0x1;
	s6 =	sadd.s32 s21, s4  }
0x9d: {  	[timem:s22], [sflag:s7] =	dma.local [hbm:s6], s5  }
0x9e: {  	_ =	swait.ge [sflag:s7], s5  }
0x9f: {  	s5 =	ssub.s32 $0x0, s5;
	[sflag:s7] =	ssyncset.done $0x0  }
0xa0: {  	[sflag:s7] =	ssyncadd.s32 s5;
	_ =	sdelay $0x1  }
0xa1: {  	s23 =	simm.s32 $0x1B8B  }
0xa2: {  	_ =	swait.ge [sflag:s23], $0x1  }
0xa3: {  	[sflag:s23] =	ssyncset.done $0x0  }
0xa4: {  	[sflag:s23] =	ssyncadd.s32 $0xFFFFFFFF  }
0xa5: {  	s5 =	sld [smem:$0x0]  }
0xa6: {  	s6 =	sand.u32 $0xFFFFFFFE, s1  }
0xa7: {  	p0 =	sne.s32 s1, s6  }
0xa8: {  	s6 =	sshll.u32 @p0 s6, $0xE  }
0xa9: {  	s6 =	sadd.s32 @p0 $0x11B8D, s6;
	s7 =	sshll.u32 @p0 s5, $0x11  }
0xaa: {  	s6 =	sor.u32 @p0 s7, s6  }
0xab: {  	[sflag:s6] =	ssyncadd.remote.s32 @p0 $0x1;
	_ =	sdelay $0x1  }
0xac: {  	s6 =	simm.s32 @p0 $0x1B8D  }
0xad: {  	_ =	swait.eq @p0 [sflag:s6], $0x1  }
0xae: {  	[sflag:s6] =	ssyncadd.s32 @p0 $0xFFFFFFFF  }
0xaf: {  	s7 =	sshll.u32 @!p0 s1, $0xE  }
0xb0: {  	s7 =	sor.u32 @!p0 $0x4000, s7;
	s6 =	simm.s32 @!p0 $0x1B8D  }
0xb1: {  	s5 =	sshll.u32 @!p0 s5, $0x11;
	s7 =	sadd.s32 @!p0 $0x11B8D, s7;
	_ =	swait.eq @!p0 [sflag:s6], $0x1  }
0xb2: {  	s5 =	sor.u32 @!p0 s5, s7;
	[sflag:s6] =	ssyncadd.s32 @!p0 $0xFFFFFFFF  }
0xb3: {  	s25 =	simm.s32 $0x1B8E;
	s24 =	sld [smem:$0x3FFE];
	[sflag:s5] =	ssyncadd.remote.s32 @!p0 $0x1  }
0xb4: {  	s26 =	simm.s32 $execute0_lowered;
	[smem:$0x3FD2] =	sst s25  }
0xb5: {  	s6 =	sshll.u32 s26, $0x1;
	_ =	strace $0x8000004F;
	[dreg:$0x1] =	wrdreg $0xFFFFFFFF  }
0xb6: {  	s28 =	simm.s32 $_size_execute0_lowered;
	s4 =	sadd.s32 s4, s6;
	[dreg:$0x0] =	wrdreg $0x0  }
0xb7: {  	s6 =	sshll.u32 s28, $0x1;
	[dreg:$0x2] =	wrdreg s4  }
0xb8: {  	[dreg:$0x3] =	wrdreg s6  }
0xb9: {  	[dreg:$0x4] =	wrdreg $0xC0  }
0xba: {  	_ =	task [dreg:s22], $0x5FFFF  }
0xbb: {  	[dreg:$0x1] =	wrdreg $0xFFFFFFFF  }
0xbc: {  	[dreg:$0x0] =	wrdreg $0x60  }
0xbd: {  	[dreg:$0x2] =	wrdreg s18  }
0xbe: {  	[dreg:$0x3] =	wrdreg s24  }
0xbf: {  	[dreg:$0x4] =	wrdreg $0xC  }
0xc0: {  	_ =	task.clear_ibuf [dreg:s22], $0x5FFFF;
	_ =	strace $0x9000004F  }
0xc1: {  	s29 =	simm.s32 $0xC;
	_ =	strace $0x80000051  }
0xc2: {  	_ =	swait.ge [sflag:s29], $0x1  }
0xc3: {  	[sflag:s29] =	ssyncadd.s32 $0xFFFFFFFF  }
0xc4: {  	_ =	strace $0x90000051  }
0xc5: {  	_ =	sfence  }
0xc6: {  	s30 =	sld [smem:$0x0];
	_ =	sdelay $0x2  }
0xc7: {  	s31 =	sshll.u32 s1, $0xD;
	s1 =	sshrl.u32 s1, $0x2  }
0xc8: {  	s4 =	sand.u32 $0x4000, s31;
	s1 =	sadd.s32 s1, s30  }
0xc9: {  	s0 =	sor.u32 s4, s0;
	s1 =	sshll.u32 s1, $0x11  }
0xca: {  	s0 =	sor.u32 s1, s0  }
0xcb: {  	s0 =	sadd.s32 $0x8F2B, s0  }
0xcc: {  	[sflag:s0] =	ssyncadd.remote.s32 $0x1  }
0xcd: {  	_ =	sfence.sel $0xFFFF  }
0xce: {  	[dreg:$0x0] =	wrdreg $0xFFFFFFFF;
	(pc) =	sbr.abs _section_cstart, $3  }
0xcf: {  	[dreg:$0x1] =	wrdreg $0xFFFFFFFF  }
0xd0: {  	_ =	task.clear_ibuf [dreg:s22], $0x2FFFF;
	_ =	strace $0x9FFFFFFF  }
0xd1: {  	(tm) =	ssettm $0x7FFFFFFF  }
tec
execute0_lowered:
.L_overlay_start_1:
0x0: {  	(tag) =	ssettag $0x1  }
0x1: {  	s1 =	srdreg.scid;
	s0 =	stileid.u32  }
0x2: {  	s15 =	sand.u32 $0x1, s1;
	s31 =	sshll.u32 s0, $0x1  }
0x3: {  	s2 =	rddreg [dreg:$0x0];
	s6 =	sor.u32 s15, s31  }
0x4: {  	s9 =	rddreg [dreg:$0x1];
	s4 =	smul.u32 $0x32, s6  }
0x5: {  	s3 =	simm.s32 $0x0;
	s1 =	rddreg [dreg:$0x2]  }
0x6: {  	[smem:$0x7FF] =	sst s3;
	s4 =	sadd.s32 s4, s9  }
0x7: {  	_ =	strace $0x80000050;
	s5 =	sadd.s32 $0x3400, s4;
	s4 =	simm.s32 $0x2  }
0x8: {  	[tilespmem:s3], [sflag:$0x2] =	stream.linear.gather [hbm4b:s5+s3], $0x190, $0x38;
	[tilespmem:$0x2A00] =	vst v63  }
0x9: {  	_ =	swait.ge [sflag:s4], $0x190  }
0xa: {  	s7 =	simm.s32 $0x200;
	s8 =	simm.s32 $0x1;
	[sflag:s4] =	ssyncset.done $0x0  }
0xb: {  	s10 =	smul.u32 $0x1900, s6;
	s6 =	simm.s32 $0x50;
	[sflag:s4] =	ssyncadd.s32 $0xFFFFFE70  }
0xc: {  	[tilespmem:s7], [sflag:$0x1] =	stream.indirect.gather [hbm4b:s2+s6], $0x80, s3, s6, $0xb8;
	[tilespmem:$0x2A00] =	vst v63  }
0xd: {  	_ =	swait.ge [sflag:s8], $0x2800  }
0xe: {  	s16 =	sadd.s32 s10, s9;
	[sflag:s8] =	ssyncset.done $0x0  }
0xf: {  	s9 =	sadd.s32 $0x67C00, s16;
	[sflag:s8] =	ssyncadd.s32 $0xFFFFD800  }
0x10: {  	[hbm4b:s9+s3] =	stream.linear.scatter [tilespmem:s7], [sflag:$0x2], $0x2800, $0x38;
	[tilespmem:$0x2A00] =	vst v63  }
0x11: {  	_ =	swait.ge [sflag:s4], $0x2800  }
0x12: {  	[sflag:s4] =	ssyncset.done $0x0  }
0x13: {  	[sflag:s4] =	ssyncadd.s32 $0xFFFFD800  }
0x14: {  	[tilespmem:s7], [sflag:$0x1] =	stream.indirect.gather [hbm4b:s2+s6], $0x80, s6, s6, $0xb8;
	[tilespmem:$0x2A00] =	vst v63  }
0x15: {  	_ =	swait.ge [sflag:s8], $0x2800  }
0x16: {  	[sflag:s8] =	ssyncset.done $0x0  }
0x17: {  	s10 =	sadd.s32 $0x68100, s16;
	[sflag:s8] =	ssyncadd.s32 $0xFFFFD800  }
0x18: {  	[hbm4b:s10+s3] =	stream.linear.scatter [tilespmem:s7], [sflag:$0x2], $0x2800, $0x38;
	[tilespmem:$0x2A00] =	vst v63  }
0x19: {  	_ =	swait.ge [sflag:s4], $0x2800  }
0x1a: {  	[sflag:s4] =	ssyncset.done $0x0  }
0x1b: {  	s11 =	simm.s32 $0xA0;
	[sflag:s4] =	ssyncadd.s32 $0xFFFFD800  }
0x1c: {  	[tilespmem:s7], [sflag:$0x1] =	stream.indirect.gather [hbm4b:s2+s6], $0x80, s11, s6, $0xb8;
	[tilespmem:$0x2A00] =	vst v63  }
0x1d: {  	_ =	swait.ge [sflag:s8], $0x2800  }
0x1e: {  	[sflag:s8] =	ssyncset.done $0x0  }
0x1f: {  	s12 =	sadd.s32 $0x68600, s16;
	[sflag:s8] =	ssyncadd.s32 $0xFFFFD800  }
0x20: {  	[hbm4b:s12+s3] =	stream.linear.scatter [tilespmem:s7], [sflag:$0x2], $0x2800, $0x38;
	[tilespmem:$0x2A00] =	vst v63  }
0x21: {  	_ =	swait.ge [sflag:s4], $0x2800  }
0x22: {  	[sflag:s4] =	ssyncset.done $0x0  }
0x23: {  	s13 =	simm.s32 $0xF0;
	[sflag:s4] =	ssyncadd.s32 $0xFFFFD800  }
0x24: {  	[tilespmem:s7], [sflag:$0x1] =	stream.indirect.gather [hbm4b:s2+s6], $0x80, s13, s6, $0xb8;
	[tilespmem:$0x2A00] =	vst v63  }
0x25: {  	_ =	swait.ge [sflag:s8], $0x2800  }
0x26: {  	[sflag:s8] =	ssyncset.done $0x0  }
0x27: {  	s17 =	ssub.s32 $0x2, s15;
	s14 =	sadd.s32 $0x68B00, s16;
	[sflag:s8] =	ssyncadd.s32 $0xFFFFD800  }
0x28: {  	[hbm4b:s14+s3] =	stream.linear.scatter [tilespmem:s7], [sflag:$0x2], $0x2800, $0x38;
	[tilespmem:$0x2A00] =	vst v63  }
0x29: {  	s18 =	sshrl.u32 s17, $0x1;
	_ =	swait.ge [sflag:s4], $0x2800  }
0x2a: {  	s17 =	ssub.s32 s17, s18;
	[sflag:s4] =	ssyncset.done $0x0  }
0x2b: {  	s15 =	simm.s32 $0x140;
	s17 =	smax.u32 s17, $0x1;
	[sflag:s4] =	ssyncadd.s32 $0xFFFFD800  }
0x2c: {  	[tilespmem:s7], [sflag:$0x1] =	stream.indirect.gather [hbm4b:s2+s6], $0x80, s15, s6, $0xb8;
	[tilespmem:$0x2A00] =	vst v63  }
0x2d: {  	p0 =	sne.s32 s17, $0x1;
	_ =	swait.ge [sflag:s8], $0x2800  }
.Ltmp0:
0x2e: {  	[sflag:s8] =	ssyncset.done $0x0;
	(pc) =	sbr.rel @!p0 .LBB2_2-.Ltmp0, $4  }
0x2f: {  	s16 =	sadd.s32 $0x69000, s16;
	[sflag:s8] =	ssyncadd.s32 $0xFFFFD800  }
0x30: {  	[hbm4b:s16+s3] =	stream.linear.scatter [tilespmem:s7], [sflag:$0x2], $0x2800, $0x38;
	[tilespmem:$0x2A00] =	vst v63  }
0x31: {  	_ =	swait.ge [sflag:s4], $0x2800  }
0x32: {  	s17 =	sadd.s32 $0xFFFFFFFF, s17;
	[sflag:s4] =	ssyncset.done $0x0  }
.LBB2_1:
0x33: {  	p0 =	sne.s32 s17, $0x1;
	s17 =	sadd.s32 $0xFFFFFFFF, s17;
	[sflag:s4] =	ssyncadd.s32 $0xFFFFD800  }
0x34: {  	[tilespmem:s3], [sflag:$0x2] =	stream.linear.gather [hbm4b:s5+s3], $0x190, $0x38;
	[tilespmem:$0x2A00] =	vst v63  }
0x35: {  	_ =	swait.ge [sflag:s4], $0x190  }
0x36: {  	[sflag:s4] =	ssyncset.done $0x0  }
0x37: {  	[sflag:s4] =	ssyncadd.s32 $0xFFFFFE70  }
0x38: {  	[tilespmem:s7], [sflag:$0x1] =	stream.indirect.gather [hbm4b:s2+s6], $0x80, s3, s6, $0xb8;
	[tilespmem:$0x2A00] =	vst v63  }
0x39: {  	_ =	swait.ge [sflag:s8], $0x2800  }
0x3a: {  	[sflag:s8] =	ssyncset.done $0x0  }
0x3b: {  	[sflag:s8] =	ssyncadd.s32 $0xFFFFD800  }
0x3c: {  	[hbm4b:s9+s3] =	stream.linear.scatter [tilespmem:s7], [sflag:$0x2], $0x2800, $0x38;
	[tilespmem:$0x2A00] =	vst v63  }
0x3d: {  	_ =	swait.ge [sflag:s4], $0x2800  }
0x3e: {  	[sflag:s4] =	ssyncset.done $0x0  }
0x3f: {  	[sflag:s4] =	ssyncadd.s32 $0xFFFFD800  }
0x40: {  	[tilespmem:s7], [sflag:$0x1] =	stream.indirect.gather [hbm4b:s2+s6], $0x80, s6, s6, $0xb8;
	[tilespmem:$0x2A00] =	vst v63  }
0x41: {  	_ =	swait.ge [sflag:s8], $0x2800  }
0x42: {  	[sflag:s8] =	ssyncset.done $0x0  }
0x43: {  	[sflag:s8] =	ssyncadd.s32 $0xFFFFD800  }
0x44: {  	[hbm4b:s10+s3] =	stream.linear.scatter [tilespmem:s7], [sflag:$0x2], $0x2800, $0x38;
	[tilespmem:$0x2A00] =	vst v63  }
0x45: {  	_ =	swait.ge [sflag:s4], $0x2800  }
0x46: {  	[sflag:s4] =	ssyncset.done $0x0  }
0x47: {  	[sflag:s4] =	ssyncadd.s32 $0xFFFFD800  }
0x48: {  	[tilespmem:s7], [sflag:$0x1] =	stream.indirect.gather [hbm4b:s2+s6], $0x80, s11, s6, $0xb8;
	[tilespmem:$0x2A00] =	vst v63  }
0x49: {  	_ =	swait.ge [sflag:s8], $0x2800  }
0x4a: {  	[sflag:s8] =	ssyncset.done $0x0  }
0x4b: {  	[sflag:s8] =	ssyncadd.s32 $0xFFFFD800  }
0x4c: {  	[hbm4b:s12+s3] =	stream.linear.scatter [tilespmem:s7], [sflag:$0x2], $0x2800, $0x38;
	[tilespmem:$0x2A00] =	vst v63  }
0x4d: {  	_ =	swait.ge [sflag:s4], $0x2800  }
0x4e: {  	[sflag:s4] =	ssyncset.done $0x0  }
0x4f: {  	[sflag:s4] =	ssyncadd.s32 $0xFFFFD800  }
0x50: {  	[tilespmem:s7], [sflag:$0x1] =	stream.indirect.gather [hbm4b:s2+s6], $0x80, s13, s6, $0xb8;
	[tilespmem:$0x2A00] =	vst v63  }
0x51: {  	_ =	swait.ge [sflag:s8], $0x2800  }
0x52: {  	[sflag:s8] =	ssyncset.done $0x0  }
0x53: {  	[sflag:s8] =	ssyncadd.s32 $0xFFFFD800  }
0x54: {  	[hbm4b:s14+s3] =	stream.linear.scatter [tilespmem:s7], [sflag:$0x2], $0x2800, $0x38;
	[tilespmem:$0x2A00] =	vst v63  }
0x55: {  	_ =	swait.ge [sflag:s4], $0x2800  }
0x56: {  	[sflag:s4] =	ssyncset.done $0x0  }
0x57: {  	[sflag:s4] =	ssyncadd.s32 $0xFFFFD800  }
0x58: {  	[tilespmem:s7], [sflag:$0x1] =	stream.indirect.gather [hbm4b:s2+s6], $0x80, s15, s6, $0xb8;
	[tilespmem:$0x2A00] =	vst v63  }
0x59: {  	_ =	swait.ge [sflag:s8], $0x2800  }
.Ltmp1:
0x5a: {  	[sflag:s8] =	ssyncset.done $0x0;
	(pc) =	sbr.rel @p0 .LBB2_1-.Ltmp1, $4  }
0x5b: {  	[sflag:s8] =	ssyncadd.s32 $0xFFFFD800  }
0x5c: {  	[hbm4b:s16+s3] =	stream.linear.scatter [tilespmem:s7], [sflag:$0x2], $0x2800, $0x38;
	[tilespmem:$0x2A00] =	vst v63  }
0x5d: {  	_ =	swait.ge [sflag:s4], $0x2800  }
0x5e: {  	[sflag:s4] =	ssyncset.done $0x0  }
.LBB2_2:
0x5f: {  	[sflag:s4] =	ssyncadd.s32 $0xFFFFD800  }
0x60: {  	_ =	sfence.sel $0x180000  }
0x61: {  	[bflag:$0x0] =	sbarrier.arrive $0xFFFF  }
0x62: {  	p0 =	sne.s32 s0, $0x0;
	_ =	strace $0x90000050  }
0x63: {  	s0 =	sadd.s32 @!p0 $0x100000, s1;
	[bflag:$0x2] =	sbarrier.arrive $0xFFFF  }
0x64: {  	[sflag:s0] =	ssyncadd.tile.s32 @!p0 $0x1;
	_ =	shalt  }
.Lfunc_end2:
_tile_overlayer_lowered:
.L_overlay_start_2:
0x65: {  	(tag) =	ssettag $0x2  }
0x66: {  	s0 =	rddreg [dreg:$0x0];
	s2 =	stileid.u32  }
0x67: {  	s1 =	rddreg [dreg:$0x1];
	p0 =	sne.s32 s2, $0x0  }
0x68: {  	s3 =	rddreg [dreg:$0x2];
	[bflag:$0x3] =	sbarrier.arrive $0xFFFF;
	s2 =	simm.s32 @!p0 $0x1C02  }
0x69: {  	[timem:s3], [sflag:s2] =	dma.local @!p0 [hbm:s0], s1  }
0x6a: {  	s0 =	simm.s32 @!p0 $0x2  }
0x6b: {  	_ =	swait.ge @!p0 [sflag:s0], s1  }
0x6c: {  	s1 =	ssub.s32 @!p0 $0x0, s1;
	[sflag:s0] =	ssyncset.done @!p0 $0x0  }
0x6d: {  	[sflag:s0] =	ssyncadd.s32 @!p0 s1  }
0x6e: {  	[bflag:$0x3] =	sbarrier.arrive $0xFFFF  }
0x6f: {  	_ =	shalt  }

</sc_bundles>
